<compile_context>
chip_gen: v7x
topology: tpu7x:2x2x1
jax: 0.10.2.dev20260603
libtpu: 0.0.44.dev20260713+nightly
codegen_flags: <defaults>
</compile_context>

<pallas_src>
import functools

import jax
import jax.numpy as jnp
from jax.experimental import pallas as pl


def _square_distance(src, dst):
    dist = -2.0 * jnp.matmul(src, jnp.swapaxes(dst, 1, 2))
    dist = dist + jnp.sum(src ** 2, -1)[:, :, None]
    dist = dist + jnp.sum(dst ** 2, -1)[:, None, :]
    return dist


def _index_points(points, idx):
    return jax.vmap(lambda p, i: p[i])(points, idx)


def _fps(xyz, npoint):
    B, N, _ = xyz.shape
    def body(carry, _):
        distance, farthest = carry
        centroid = xyz[jnp.arange(B), farthest][:, None, :]
        d = jnp.sum((xyz - centroid) ** 2, -1)
        distance = jnp.minimum(distance, d)
        nf = jnp.argmax(distance, -1).astype(jnp.int32)
        return (distance, nf), farthest
    init = (jnp.full((B, N), 1e10, xyz.dtype), jnp.zeros((B,), jnp.int32))
    _, cents = jax.lax.scan(body, init, None, length=npoint)
    return jnp.swapaxes(cents, 0, 1)


def _query_ball_point(radius, nsample, xyz, new_xyz):
    N = xyz.shape[1]
    sq = _square_distance(new_xyz, xyz)
    gi = jnp.broadcast_to(jnp.arange(N), sq.shape)
    gi = jnp.where(sq > radius ** 2, N, gi)
    gi = jnp.sort(gi, axis=-1)[:, :, :nsample]
    first = gi[:, :, :1]
    gi = jnp.where(gi == N, first, gi)
    return gi


def _gelu(x):
    return jax.nn.gelu(x, approximate=False)


def _gn(x, gamma, beta, groups=4, eps=1e-5):
    sh = x.shape
    B, C = sh[0], sh[1]
    xg = x.reshape(B, groups, C // groups, -1)
    m = jnp.mean(xg, axis=(2, 3), keepdims=True)
    v = jnp.var(xg, axis=(2, 3), keepdims=True)
    xg = (xg - m) / jnp.sqrt(v + eps)
    x = xg.reshape(sh)
    bs = (1, C) + (1,) * (len(sh) - 2)
    return x * gamma.reshape(bs) + beta.reshape(bs)


def _conv1d(x, W, b):
    return jnp.einsum('oc,bcn->bon', W, x) + b[None, :, None]


def _invres(x, pos, p, radius, nsample):
    identity = x
    h = _gelu(_gn(_conv1d(x, p['w1'], p['b1']), p['g1'], p['be1']))
    pos_t = jnp.swapaxes(pos, 1, 2)
    idx = _query_ball_point(radius, nsample, pos_t, pos_t)
    gx = jnp.transpose(_index_points(jnp.swapaxes(h, 1, 2), idx), (0, 3, 1, 2))
    gx = _gn(gx * p['dw'][None, :, None, None], p['gdw'], p['bdw'])
    h = _gelu(jnp.max(gx, axis=-1))
    h = _gn(_conv1d(h, p['w2'], p['b2']), p['g2'], p['be2'])
    return h + identity


def _downsample_layer(x, pos, p, npoint, radius, nsample):
    pos_t = jnp.swapaxes(pos, 1, 2)
    if npoint < pos.shape[2]:
        fi = _fps(pos_t, npoint)
        new_pos = _index_points(pos_t, fi)
    else:
        new_pos = pos_t
    idx = _query_ball_point(radius, nsample, pos_t, new_pos)
    gp = _index_points(pos_t, idx)
    gpn = jnp.transpose(gp - new_pos[:, :, None, :], (0, 3, 1, 2))
    if x is not None:
        gx = jnp.transpose(_index_points(jnp.swapaxes(x, 1, 2), idx), (0, 3, 1, 2))
        feat = jnp.concatenate([gx, gpn], axis=1)
    else:
        feat = gpn
    B, C, S, K = feat.shape
    out = _gelu(_gn(_conv1d(feat.reshape(B, C, S * K), p['w'], p['b']), p['g'], p['be']))
    out = jnp.max(out.reshape(B, -1, S, K), axis=-1)
    return out, jnp.swapaxes(new_pos, 1, 2)


def _stage(x, pos, p, npoint, radius, nsample):
    x, pos = _downsample_layer(x, pos, p['down'], npoint, radius, nsample)
    x = _invres(x, pos, p['block'], radius, nsample)
    return x, pos


def _upsample_layer(x_up, pos_up, x_skip, pos_skip, p, radius, nsample):
    ps = jnp.swapaxes(pos_skip, 1, 2)
    pu = jnp.swapaxes(pos_up, 1, 2)
    sq = _square_distance(ps, pu)
    idx = jnp.argsort(sq, axis=-1)[:, :, :3]
    dist = jnp.take_along_axis(sq, idx, axis=-1)
    dr = 1.0 / (dist + 1e-8)
    w = dr / jnp.sum(dr, axis=2, keepdims=True)
    interp = jnp.sum(_index_points(jnp.swapaxes(x_up, 1, 2), idx) * w[..., None], axis=2)
    interp = jnp.swapaxes(interp, 1, 2)
    fused = jnp.concatenate([x_skip, interp], axis=1) if x_skip is not None else interp
    x = _gelu(_gn(_conv1d(fused, p['fw'], p['fb']), p['fg'], p['fbe']))
    return _invres(x, pos_skip, p['block'], radius, nsample)


def _head_kernel(x_ref, w_ref, b_ref, o_ref):
    o_ref[0] = (
        jnp.dot(w_ref[...], x_ref[0], preferred_element_type=jnp.float32)
        + b_ref[...]
    )


def _head_conv(x, W, b):
    B, C, N = x.shape
    O = W.shape[0]
    return pl.pallas_call(
        _head_kernel,
        grid=(B,),
        in_specs=[
            pl.BlockSpec((1, C, N), lambda b_: (b_, 0, 0)),
            pl.BlockSpec((O, C), lambda b_: (0, 0)),
            pl.BlockSpec((O, 1), lambda b_: (0, 0)),
        ],
        out_specs=pl.BlockSpec((1, O, N), lambda b_: (b_, 0, 0)),
        out_shape=jax.ShapeDtypeStruct((B, O, N), jnp.float32),
    )(x, W, b.reshape(O, 1))


def kernel(pos, params):
    x1, pos1 = _stage(None, pos, params['s1'], 512, 0.1, 32)
    x2, pos2 = _stage(x1, pos1, params['s2'], 128, 0.2, 32)
    x = _upsample_layer(x2, pos2, x1, pos1, params['u1'], 0.1, 32)
    x = _upsample_layer(x, pos1, None, pos, params['u0'], 0.1, 32)
    return _head_conv(x, params['head_w'], params['head_b'])

# --- scband reference (transcript-rebuilt; emitter-appended) ---
"""Pipeline reference for scband-point-ne-xt-56624848831032 (READ-ONLY COPY).

The authoritative reference and input builder live on the scoring server;
editing this copy changes nothing except your own understanding.
"""

import jax, jax.numpy as jnp
import numpy as np

def square_distance(src, dst):
    dist = -2.0 * jnp.matmul(src, jnp.swapaxes(dst, 1, 2))
    dist = dist + jnp.sum(src ** 2, -1)[:, :, None]
    dist = dist + jnp.sum(dst ** 2, -1)[:, None, :]
    return dist

def index_points(points, idx):
    return jax.vmap(lambda p, i: p[i])(points, idx)

def fps(xyz, npoint):
    B, N, _ = xyz.shape
    def body(carry, _):
        distance, farthest = carry
        centroid = xyz[jnp.arange(B), farthest][:, None, :]
        d = jnp.sum((xyz - centroid) ** 2, -1)
        distance = jnp.minimum(distance, d)
        nf = jnp.argmax(distance, -1).astype(jnp.int32)
        return (distance, nf), farthest
    init = (jnp.full((B, N), 1e10, xyz.dtype), jnp.zeros((B,), jnp.int32))
    _, cents = jax.lax.scan(body, init, None, length=npoint)
    return jnp.swapaxes(cents, 0, 1)

def query_ball_point(radius, nsample, xyz, new_xyz):
    N = xyz.shape[1]
    sq = square_distance(new_xyz, xyz)
    gi = jnp.broadcast_to(jnp.arange(N), sq.shape)
    gi = jnp.where(sq > radius ** 2, N, gi)
    gi = jnp.sort(gi, axis=-1)[:, :, :nsample]
    first = gi[:, :, :1]
    gi = jnp.where(gi == N, first, gi)
    return gi

def gelu(x):
    return jax.nn.gelu(x, approximate=False)

def gn(x, gamma, beta, groups=4, eps=1e-5):
    sh = x.shape
    B, C = sh[0], sh[1]
    xg = x.reshape(B, groups, C // groups, -1)
    m = jnp.mean(xg, axis=(2, 3), keepdims=True)
    v = jnp.var(xg, axis=(2, 3), keepdims=True)
    xg = (xg - m) / jnp.sqrt(v + eps)
    x = xg.reshape(sh)
    bs = (1, C) + (1,) * (len(sh) - 2)
    return x * gamma.reshape(bs) + beta.reshape(bs)

def conv1d(x, W, b):
    return jnp.einsum('oc,bcn->bon', W, x) + b[None, :, None]

def invres(x, pos, p, radius, nsample):
    identity = x
    h = gelu(gn(conv1d(x, p['w1'], p['b1']), p['g1'], p['be1']))
    pos_t = jnp.swapaxes(pos, 1, 2)
    idx = query_ball_point(radius, nsample, pos_t, pos_t)
    gx = jnp.transpose(index_points(jnp.swapaxes(h, 1, 2), idx), (0, 3, 1, 2))
    gx = gn(gx * p['dw'][None, :, None, None], p['gdw'], p['bdw'])
    h = gelu(jnp.max(gx, axis=-1))
    h = gn(conv1d(h, p['w2'], p['b2']), p['g2'], p['be2'])
    return h + identity

def downsample_layer(x, pos, p, npoint, radius, nsample):
    pos_t = jnp.swapaxes(pos, 1, 2)
    if npoint < pos.shape[2]:
        fi = fps(pos_t, npoint)
        new_pos = index_points(pos_t, fi)
    else:
        new_pos = pos_t
    idx = query_ball_point(radius, nsample, pos_t, new_pos)
    gp = index_points(pos_t, idx)
    gpn = jnp.transpose(gp - new_pos[:, :, None, :], (0, 3, 1, 2))
    if x is not None:
        gx = jnp.transpose(index_points(jnp.swapaxes(x, 1, 2), idx), (0, 3, 1, 2))
        feat = jnp.concatenate([gx, gpn], axis=1)
    else:
        feat = gpn
    B, C, S, K = feat.shape
    out = gelu(gn(conv1d(feat.reshape(B, C, S * K), p['w'], p['b']), p['g'], p['be']))
    out = jnp.max(out.reshape(B, -1, S, K), axis=-1)
    return out, jnp.swapaxes(new_pos, 1, 2)

def stage(x, pos, p, npoint, radius, nsample):
    x, pos = downsample_layer(x, pos, p['down'], npoint, radius, nsample)
    x = invres(x, pos, p['block'], radius, nsample)
    return x, pos

def upsample_layer(x_up, pos_up, x_skip, pos_skip, p, radius, nsample):
    ps = jnp.swapaxes(pos_skip, 1, 2)
    pu = jnp.swapaxes(pos_up, 1, 2)
    sq = square_distance(ps, pu)
    idx = jnp.argsort(sq, axis=-1)[:, :, :3]
    dist = jnp.take_along_axis(sq, idx, axis=-1)
    dr = 1.0 / (dist + 1e-8)
    w = dr / jnp.sum(dr, axis=2, keepdims=True)
    interp = jnp.sum(index_points(jnp.swapaxes(x_up, 1, 2), idx) * w[..., None], axis=2)
    interp = jnp.swapaxes(interp, 1, 2)
    fused = jnp.concatenate([x_skip, interp], axis=1) if x_skip is not None else interp
    x = gelu(gn(conv1d(fused, p['fw'], p['fb']), p['fg'], p['fbe']))
    return invres(x, pos_skip, p['block'], radius, nsample)

def _inv_p(k, c):
    mid = 4 * c
    ks = jax.random.split(k, 3)
    return {'w1': jax.random.normal(ks[0], (mid, c)) * 0.05, 'b1': jnp.zeros((mid,)),
            'g1': jnp.ones((mid,)), 'be1': jnp.zeros((mid,)),
            'dw': 1.0 + jax.random.normal(ks[1], (mid,)) * 0.05,
            'gdw': jnp.ones((mid,)), 'bdw': jnp.zeros((mid,)),
            'w2': jax.random.normal(ks[2], (c, mid)) * 0.05, 'b2': jnp.zeros((c,)),
            'g2': jnp.ones((c,)), 'be2': jnp.zeros((c,))}

def build_params(key):
    ks = jax.random.split(key, 10)
    return {
        's1': {'down': {'w': jax.random.normal(ks[0], (32, 3)) * 0.05, 'b': jnp.zeros((32,)), 'g': jnp.ones((32,)), 'be': jnp.zeros((32,))}, 'block': _inv_p(ks[1], 32)},
        's2': {'down': {'w': jax.random.normal(ks[2], (64, 35)) * 0.05, 'b': jnp.zeros((64,)), 'g': jnp.ones((64,)), 'be': jnp.zeros((64,))}, 'block': _inv_p(ks[3], 64)},
        'u1': {'fw': jax.random.normal(ks[4], (32, 96)) * 0.05, 'fb': jnp.zeros((32,)), 'fg': jnp.ones((32,)), 'fbe': jnp.zeros((32,)), 'block': _inv_p(ks[5], 32)},
        'u0': {'fw': jax.random.normal(ks[6], (32, 32)) * 0.05, 'fb': jnp.zeros((32,)), 'fg': jnp.ones((32,)), 'fbe': jnp.zeros((32,)), 'block': _inv_p(ks[7], 32)},
        'head_w': jax.random.normal(ks[8], (13, 32)) * 0.05, 'head_b': jnp.zeros((13,))}

def setup_inputs(seed: int = 0):
    key = jax.random.key(seed)
    k1, k2 = jax.random.split(key)
    pos = jax.random.uniform(k1, (4, 3, 2048), dtype=jnp.float32)
    return {'pos': pos, 'params': build_params(k2)}

def reference(pos, params):
    x1, pos1 = stage(None, pos, params['s1'], 512, 0.1, 32)
    x2, pos2 = stage(x1, pos1, params['s2'], 128, 0.2, 32)
    x = upsample_layer(x2, pos2, x1, pos1, params['u1'], 0.1, 32)
    x = upsample_layer(x, pos1, None, pos, params['u0'], 0.1, 32)
    return conv1d(x, params['head_w'], params['head_b'])

if __name__ == "__main__":
    import jax
    _d = setup_inputs()
    print(jax.jit(kernel)(*tuple(_d.values())))

</pallas_src>

<mosaic_0001>
module attributes {stable_mosaic.version = 14 : i64} {
  func.func @_head_kernel(%arg0: i32, %arg1: memref<1x32x2048xf32, #tpu.memory_space<vmem>>, %arg2: memref<13x32xf32, #tpu.memory_space<vmem>>, %arg3: memref<13x1xf32, #tpu.memory_space<vmem>>, %arg4: memref<1x13x2048xf32, #tpu.memory_space<vmem>>) attributes {dimension_semantics = [#tpu.dimension_semantics<arbitrary>], iteration_bounds = array<i64: 4>, scalar_prefetch = 0 : i64, scratch_operands = 0 : i64, tpu.core_type = #tpu.core_type<tc>, window_params = [{transform_indices = @transform_0, window_bounds = array<i64: 1, 32, 2048>}, {pipeline_mode = #tpu.pipeline_mode<synchronous>, transform_indices = @transform_1, window_bounds = array<i64: 13, 32>}, {pipeline_mode = #tpu.pipeline_mode<synchronous>, transform_indices = @transform_2, window_bounds = array<i64: 13, 1>}, {transform_indices = @transform_3, window_bounds = array<i64: 1, 13, 2048>}]} {
    %get3A = arith.constant 0 : index
    %get3A_0 = arith.constant 0 : index
    %get3A_1 = vector.load %arg2[%get3A, %get3A_0] : memref<13x32xf32, #tpu.memory_space<vmem>>, vector<13x32xf32>
    %get3A_2 = arith.constant 0 : index
    %get3A_3 = arith.constant 0 : index
    %get3A_4 = arith.constant 0 : index
    %get3A_5 = vector.load %arg1[%get3A_2, %get3A_3, %get3A_4] : memref<1x32x2048xf32, #tpu.memory_space<vmem>>, vector<1x32x2048xf32>
    %get3A_6 = vector.shape_cast %get3A_5 : vector<1x32x2048xf32> to vector<32x2048xf32>
    %dot_general3A = arith.constant dense<0.000000e+00> : vector<13x2048xf32>
    %dot_general3A_7 = tpu.matmul %get3A_1, %get3A_6, %dot_general3A {dimension_numbers = #tpu.dot_dimension_numbers<[1], [0], [0], [1], [0, 0, 1, 1], [], []>, transpose_lhs_hint = false} : vector<13x32xf32>, vector<32x2048xf32>, vector<13x2048xf32> -> vector<13x2048xf32>
    %get3A_8 = arith.constant 0 : index
    %get3A_9 = arith.constant 0 : index
    %get3A_10 = vector.load %arg3[%get3A_8, %get3A_9] : memref<13x1xf32, #tpu.memory_space<vmem>>, vector<13x1xf32>
    %add3A = vector.broadcast %get3A_10 : vector<13x1xf32> to vector<13x2048xf32>
    %add3A_11 = arith.addf %dot_general3A_7, %add3A : vector<13x2048xf32>
    %swap3A = arith.constant 0 : index
    %swap3A_12 = arith.constant 0 : index
    %swap3A_13 = arith.constant 0 : index
    %swap3A_14 = vector.load %arg4[%swap3A, %swap3A_12, %swap3A_13] : memref<1x13x2048xf32, #tpu.memory_space<vmem>>, vector<1x13x2048xf32>
    %swap3A_15 = vector.shape_cast %swap3A_14 : vector<1x13x2048xf32> to vector<13x2048xf32>
    %swap3A_16 = vector.shape_cast %add3A_11 : vector<13x2048xf32> to vector<1x13x2048xf32>
    tpu.vector_store %arg4[%swap3A, %swap3A_12, %swap3A_13], %swap3A_16 {strides = array<i32>} : memref<1x13x2048xf32, #tpu.memory_space<vmem>>, vector<1x13x2048xf32>,
    return
  }
  func.func @transform_0(%arg0: i32) -> (i32, i32, i32) {
    %c0_i32 = arith.constant 0 : i32
    %c0_i32_0 = arith.constant 0 : i32
    %c0_i32_1 = arith.constant 0 : i32
    return %arg0, %c0_i32, %c0_i32_0 : i32, i32, i32
  }
  func.func @transform_1(%arg0: i32) -> (i32, i32) {
    %c0_i32 = arith.constant 0 : i32
    %c0_i32_0 = arith.constant 0 : i32
    %c0_i32_1 = arith.constant 0 : i32
    return %c0_i32, %c0_i32_0 : i32, i32
  }
  func.func @transform_2(%arg0: i32) -> (i32, i32) {
    %c0_i32 = arith.constant 0 : i32
    %c0_i32_0 = arith.constant 0 : i32
    %c0_i32_1 = arith.constant 0 : i32
    return %c0_i32, %c0_i32_0 : i32, i32
  }
  func.func @transform_3(%arg0: i32) -> (i32, i32, i32) {
    %c0_i32 = arith.constant 0 : i32
    %c0_i32_0 = arith.constant 0 : i32
    %c0_i32_1 = arith.constant 0 : i32
    return %arg0, %c0_i32, %c0_i32_0 : i32, i32, i32
  }
}

</mosaic_0001>

<sc_bundles>
// kernel: gather_offload_async_start.1
scs
__scs_entry_jumppad:
0x0: {  	(pc) =	sbr.rel $0x88, $3  }
0x1: {  	(tag) =	ssettag $0x0;
	lr =	simm.s32 $0x1  }
0x2: {  	[smem:$0x3F62] =	sst lr;
	_ =	strace $0xD0000000  }
0x3: {  	_ = 	snop  }
0x4: {  	_ = 	snop  }
0x5: {  	_ = 	snop  }
0x6: {  	_ = 	snop  }
0x7: {  	_ = 	snop  }
__scs_overlays_trampoline_lowered:
0x8: {  	[smem:$0x3F71] =	sst s0  }
0x9: {  	[smem:$0x3F72] =	sst s1  }
0xa: {  	[smem:$0x3F73] =	sst s2  }
0xb: {  	[smem:$0x3F74] =	sst s3  }
0xc: {  	[smem:$0x3F75] =	sst s4  }
0xd: {  	[smem:$0x3F76] =	sst s5  }
0xe: {  	[smem:$0x3F77] =	sst s6  }
0xf: {  	[smem:$0x3F78] =	sst s7  }
0x10: {  	[smem:$0x3F79] =	sst s8  }
0x11: {  	[smem:$0x3F7A] =	sst s9;
	s0 =	simm.s32 @!p0 $0x0  }
0x12: {  	s1 =	sld [smem:$0x3F60];
	s0 =	simm.s32 @p0 $0x1  }
0x13: {  	[smem:$0x3F7B] =	sst s0;
	s0 =	simm.s32 @!p1 $0x0  }
0x14: {  	s2 =	sld [smem:$0x3F5F];
	s0 =	simm.s32 @p1 $0x1  }
0x15: {  	[smem:$0x3F7C] =	sst s0;
	s0 =	simm.s32 @!p2 $0x0  }
0x16: {  	s3 =	sld [smem:$0x3FDB];
	s0 =	simm.s32 @p2 $0x1  }
0x17: {  	s4 =	simm.s32 $0x1BF5;
	[smem:$0x3F7E] =	sst s0  }
0x18: {  	s0 =	sld [smem:$0x3F61];
	_ =	swait.ge [sflag:s4], $0x0  }
0x19: {  	s7 =	sld [smem:$0x3F62]  }
0x1a: {  	s8 =	sadd.s32 $0xFFFFE003, lr  }
0x1b: {  	s9 =	sadd.s32 $0xFFFFFEF7, lr;
	s5 =	simm.s32 $0xFFFFFFFF;
	p2 =	slt.u32 s8, $0xFFFFF086  }
0x1c: {  	p1 =	slt.u32 s9, $0xF7A;
	s5 =	simm.s32 @!p2 $0x0  }
0x1d: {  	s5 =	simm.s32 @p1 $0x1;
	p0 =	seq.s32 s7, s2  }
0x1e: {  	s7 =	smul.u32 @!p0 $0xF7A, s2;
	p2 =	seq.s32 @!p0 s5, $0x0  }
0x1f: {  	s9 =	smul.u32 $0xF7A, s1;
	s8 =	simm.s32 @!p0 $0x1BF5;
	p2 =	por !p2, p0  }
0x20: {  	[sflag:s8] =	ssyncset.s32 @!p0 $0xFFFFF086;
	s6 =	sadd.s32 @!p0 s3, s7;
	s7 =	simm.s32 @!p0 $0x108  }
0x21: {  	s3 =	sadd.s32 s3, s9;
	s6 =	sadd.s32 @!p0 $0x88, s6;
	s7 =	simm.s32 @p2 $0x1082  }
0x22: {  	[simem:s7], [sflag:s8] =	dma.local @!p0 [hbm:s6], $0xF7A  }
0x23: {  	s9 =	sor.u32 $0xD0000000, s2;
	s6 =	simm.s32 $0x108;
	_ =	swait.ge @!p0 [sflag:s8], $0x0  }
0x24: {  	s3 =	sadd.s32 $0x88, s3;
	s6 =	simm.s32 @!p1 $0x1082;
	[sflag:s4] =	ssyncset.s32 $0xFFFFF086  }
0x25: {  	[simem:s6], [sflag:s4] =	dma.local [hbm:s3], $0xF7A  }
0x26: {  	[smem:$0x3F62] =	sst s1;
	(tag) =	ssettag s2;
	_ =	strace s9  }
0x27: {  	s1 =	sld [smem:$0x3F72]  }
0x28: {  	s2 =	sld [smem:$0x3F73]  }
0x29: {  	s4 =	sld [smem:$0x3F75]  }
0x2a: {  	p0 =	seq.s32 s5, $0x0;
	s5 =	sld [smem:$0x3F76]  }
0x2b: {  	s6 =	sld [smem:$0x3F77]  }
0x2c: {  	s7 =	sld [smem:$0x3F78]  }
0x2d: {  	s3 =	simm.s32 $0x108;
	s8 =	sld [smem:$0x3F79]  }
0x2e: {  	s3 =	simm.s32 @!p0 $0x1082;
	s9 =	sld [smem:$0x3F7A]  }
0x2f: {  	lr =	sadd.s32 s0, s3;
	s0 =	sld [smem:$0x3F71]  }
0x30: {  	s3 =	sld [smem:$0x3F74]  }
0x31: {  	[smem:$0x3F7D] =	sst s10  }
0x32: {  	s10 =	sld [smem:$0x3F7B];
	_ =	sdelay $0x3  }
0x33: {  	p0 =	seq.s32 s10, $0x1;
	s10 =	sld [smem:$0x3F7D];
	_ =	sdelay $0x3  }
0x34: {  	[smem:$0x3F7D] =	sst s10  }
0x35: {  	s10 =	sld [smem:$0x3F7C];
	_ =	sdelay $0x3  }
0x36: {  	p1 =	seq.s32 s10, $0x1;
	s10 =	sld [smem:$0x3F7D];
	_ =	sdelay $0x3  }
0x37: {  	[smem:$0x3F7D] =	sst s10  }
0x38: {  	s10 =	sld [smem:$0x3F7E]  }
0x39: {  	_ = 	snop;
	(pc) =	sbr.ind lr, $3  }
0x3a: {  	_ = 	snop  }
0x3b: {  	_ = 	snop  }
0x3c: {  	p2 =	seq.s32 s10, $0x1;
	s10 =	sld [smem:$0x3F7D]  }
0x3d: {  	_ =	shalt  }
0x3e: {  	_ =	shalt  }
0x3f: {  	_ =	shalt  }
0x40: {  	_ =	shalt  }
0x41: {  	_ =	shalt  }
0x42: {  	_ =	shalt  }
0x43: {  	_ =	shalt  }
0x44: {  	_ =	shalt  }
0x45: {  	_ =	shalt  }
0x46: {  	_ =	shalt  }
0x47: {  	_ =	shalt  }
0x48: {  	_ =	shalt  }
0x49: {  	_ =	shalt  }
0x4a: {  	_ =	shalt  }
0x4b: {  	_ =	shalt  }
0x4c: {  	_ =	shalt  }
0x4d: {  	_ =	shalt  }
0x4e: {  	_ =	shalt  }
0x4f: {  	_ =	shalt  }
0x50: {  	_ =	shalt  }
0x51: {  	_ =	shalt  }
0x52: {  	_ =	shalt  }
0x53: {  	_ =	shalt  }
0x54: {  	_ =	shalt  }
0x55: {  	_ =	shalt  }
0x56: {  	_ =	shalt  }
0x57: {  	_ =	shalt  }
0x58: {  	_ =	shalt  }
0x59: {  	_ =	shalt  }
0x5a: {  	_ =	shalt  }
0x5b: {  	_ =	shalt  }
0x5c: {  	_ =	shalt  }
0x5d: {  	_ =	shalt  }
0x5e: {  	_ =	shalt  }
0x5f: {  	_ =	shalt  }
0x60: {  	_ =	shalt  }
0x61: {  	_ =	shalt  }
0x62: {  	_ =	shalt  }
0x63: {  	_ =	shalt  }
0x64: {  	_ =	shalt  }
0x65: {  	_ =	shalt  }
0x66: {  	_ =	shalt  }
0x67: {  	_ =	shalt  }
0x68: {  	_ =	shalt  }
0x69: {  	_ =	shalt  }
0x6a: {  	_ =	shalt  }
0x6b: {  	_ =	shalt  }
0x6c: {  	_ =	shalt  }
0x6d: {  	_ =	shalt  }
0x6e: {  	_ =	shalt  }
0x6f: {  	_ =	shalt  }
0x70: {  	_ =	shalt  }
0x71: {  	_ =	shalt  }
0x72: {  	_ =	shalt  }
0x73: {  	_ =	shalt  }
0x74: {  	_ =	shalt  }
0x75: {  	_ =	shalt  }
0x76: {  	_ =	shalt  }
0x77: {  	_ =	shalt  }
0x78: {  	_ =	shalt  }
0x79: {  	_ =	shalt  }
0x7a: {  	_ =	shalt  }
0x7b: {  	_ =	shalt  }
0x7c: {  	_ =	shalt  }
0x7d: {  	_ =	shalt  }
0x7e: {  	_ =	shalt  }
0x7f: {  	_ =	shalt  }
0x80: {  	_ =	shalt  }
0x81: {  	_ =	shalt  }
0x82: {  	_ =	shalt  }
0x83: {  	_ =	shalt  }
0x84: {  	_ =	shalt  }
0x85: {  	_ =	shalt  }
0x86: {  	_ =	shalt  }
0x87: {  	_ =	shalt  }
.Lfunc_end0:
.L_simem_size_0:
called_computation.4_lowered:
.L_overlay_start_0:
0x88: {  	s2 =	sld [smem:$0x3FD9]  }
0x89: {  	s3 =	sld [smem:$0x3FFE];
	_ =	sdelay $0x1  }
0x8a: {  	s1 =	srdreg.scid  }
0x8b: {  	s0 =	sand.u32 $0x1, s1  }
0x8c: {  	s16 =	sshll.u32 s0, $0xA;
	s2 =	sadd.s32 s3, s2  }
0x8d: {  	s2 =	sadd.s32 s2, s16  }
0x8e: {  	[smem:$0x3F89] =	sst s2  }
0x8f: {  	_ = 	snop  }
0x90: {  	(tm) =	ssettm $0x1  }
0x91: {  	s17 =	sld [smem:$0x3FFB];
	_ =	sdelay $0x3  }
0x92: {  	_ =	strace s17  }
0x93: {  	s2 =	sld [smem:$0x3FFC];
	_ =	sdelay $0x3  }
0x94: {  	_ =	strace s2  }
0x95: {  	s2 =	sld [smem:$0x3FFD];
	_ =	sdelay $0x3  }
0x96: {  	_ =	strace s2  }
0x97: {  	_ =	strace $0x8FFFFFFF  }
0x98: {  	s18 =	sld [smem:$0x3FDB];
	_ =	sdelay $0x1  }
0x99: {  	s19 =	simm.s32 $_scs_section_size  }
0x9a: {  	s4 =	simm.s32 $_size__tile_overlayer_lowered;
	s5 =	simm.s32 $_tile_overlayer_lowered  }
0x9b: {  	s22 =	simm.s32 $0x1BFF;
	s21 =	sshll.u32 s5, $0x1;
	s2 =	sadd.s32 s19, s18  }
0x9c: {  	s6 =	simm.s32 $0x0;
	s20 =	sshll.u32 s4, $0x1;
	s4 =	sadd.s32 s21, s2  }
0x9d: {  	[timem:s6], [sflag:s22] =	dma.local [hbm:s4], s20  }
0x9e: {  	_ =	swait.ge [sflag:s22], s20  }
0x9f: {  	s3 =	ssub.s32 $0x0, s20;
	[sflag:s22] =	ssyncset.done $0x0  }
0xa0: {  	[sflag:s22] =	ssyncadd.s32 s3;
	_ =	sdelay $0x1  }
0xa1: {  	s23 =	simm.s32 $0x1B8B  }
0xa2: {  	_ =	swait.ge [sflag:s23], $0x1  }
0xa3: {  	[sflag:s23] =	ssyncset.done $0x0  }
0xa4: {  	s25 =	simm.s32 $0x1B8E;
	s24 =	sld [smem:$0x3FFE];
	[sflag:s23] =	ssyncadd.s32 $0xFFFFFFFF  }
0xa5: {  	s26 =	simm.s32 $execute0_lowered;
	[smem:$0x3FD2] =	sst s25  }
0xa6: {  	s4 =	sshll.u32 s26, $0x1;
	_ =	strace $0x80000049;
	[dreg:$0x1] =	wrdreg $0xFFFFFFFF  }
0xa7: {  	s28 =	simm.s32 $_size_execute0_lowered;
	s2 =	sadd.s32 s2, s4;
	[dreg:$0x0] =	wrdreg $0x0  }
0xa8: {  	s4 =	sshll.u32 s28, $0x1;
	[dreg:$0x2] =	wrdreg s2  }
0xa9: {  	[dreg:$0x3] =	wrdreg s4  }
0xaa: {  	[dreg:$0x4] =	wrdreg $0xC0  }
0xab: {  	_ =	task [dreg:s6], $0x5FFFF  }
0xac: {  	[dreg:$0x1] =	wrdreg $0xFFFFFFFF  }
0xad: {  	[dreg:$0x0] =	wrdreg $0x60  }
0xae: {  	[dreg:$0x2] =	wrdreg s24  }
0xaf: {  	[dreg:$0x3] =	wrdreg $0xB  }
0xb0: {  	_ =	task.clear_ibuf [dreg:s6], $0x4FFFF;
	_ =	strace $0x90000049  }
0xb1: {  	s29 =	simm.s32 $0xB;
	_ =	strace $0x8000004B  }
0xb2: {  	_ =	swait.ge [sflag:s29], $0x1  }
0xb3: {  	[sflag:s29] =	ssyncadd.s32 $0xFFFFFFFF  }
0xb4: {  	_ =	strace $0x9000004B  }
0xb5: {  	_ =	sfence  }
0xb6: {  	s30 =	sld [smem:$0x0];
	_ =	sdelay $0x2  }
0xb7: {  	s31 =	sshll.u32 s1, $0xD;
	s1 =	sshrl.u32 s1, $0x2  }
0xb8: {  	s3 =	sand.u32 $0x4000, s31;
	s1 =	sadd.s32 s1, s30  }
0xb9: {  	s0 =	sor.u32 s3, s0;
	s1 =	sshll.u32 s1, $0x11  }
0xba: {  	s0 =	sor.u32 s1, s0  }
0xbb: {  	s0 =	sadd.s32 $0x8F2B, s0  }
0xbc: {  	[sflag:s0] =	ssyncadd.remote.s32 $0x1  }
0xbd: {  	_ =	sfence.sel $0xFFFF  }
0xbe: {  	[dreg:$0x0] =	wrdreg $0xFFFFFFFF;
	(pc) =	sbr.abs _section_cstart, $3  }
0xbf: {  	[dreg:$0x1] =	wrdreg $0xFFFFFFFF  }
0xc0: {  	_ =	task.clear_ibuf [dreg:s6], $0x2FFFF;
	_ =	strace $0x9FFFFFFF  }
0xc1: {  	(tm) =	ssettm $0x7FFFFFFF  }
tec
execute0_lowered:
.L_overlay_start_1:
0x0: {  	(tag) =	ssettag $0x1  }
0x1: {  	s0 =	srdreg.scid;
	s5 =	rddreg [dreg:$0x0]  }
0x2: {  	s1 =	stileid.u32;
	s6 =	simm.s32 $0x1;
	s9 =	simm.s32 $0x1  }
0x3: {  	s10 =	simm.s32 $0x3;
	s13 =	simm.s32 $0x0;
	s2 =	sshll.u32 s0, $0x7  }
0x4: {  	s12 =	simm.s32 $0x0;
	s3 =	sshll.u32 s1, $0x8;
	s2 =	sand.u32 $0x80, s2  }
0x5: {  	s0 =	rddreg [dreg:$0x1];
	_ =	strace $0x8000004A;
	s2 =	sor.u32 s3, s2  }
0x6: {  	s4 =	sadd.s32 $0x42E00, s5;
	[sflag:s6] =	ssyncpa.u1 $0x0;
	s8 =	ssub.s32 $0x1800, s2  }
.Ltmp0:
0x7: {  	s3 =	sadd.s32 $0x2AE00, s5;
	s7 =	sand.u32 $0xF80, s8;
	(pc) =	sbr.rel .LBB2_1-.Ltmp0, $4  }
0x8: {  	s5 =	sadd.s32 $0x43200, s5;
	s11 =	smov.u32 s2;
	p0 =	sne.s32 s7, $0x0  }
0x9: {  	s8 =	sshrl.u32 s8, $0xC;
	s7 =	simm.s32 $0x2;
	s9 =	simm.s32 @!p0 $0x0  }
0xa: {  	[sflag:s7] =	ssyncpa.u1 $0x0;
	p0 =	por $0x0, $0x0;
	s8 =	sadd.s32 s9, s8  }
0xb: {  	vm0 =	vmmov $0xffff;
	[sflag:s10] =	ssyncpa.u1 $0x0;
	s10 =	simm.s32 $0x0;
	s9 =	sadd.s32 $0x1, s8  }
.LBB2_4:
0xc: {  	v3 =	vshrl.u32 v0, $0xB;
	v62 =	vshll.u32 v0, $0x10;
	v2 =	vand.u32 $0xFF80, v2  }
0xd: {  	v3 =	vand.u32 $0x7F, v3;
	v0 =	vand.u32 $0x30000, v62;
	v2 =	vsel vm1, $0xFFFFFF80, v2  }
0xe: {  	v3 =	vsel vm1, $0xFFFFFFFF, v3;
	v0 =	vsel vm1, $0xFFFF0000, v0;
	v4 =	vand.u32 $0xFFFFFC00, v2  }
0xf: {  	v0 =	vadd.s32 v0, v4;
	v63 =	vand.u32 $0xFFFFFC00, v3  }
0x10: {  	v2 =	vand.u32 $0x380, v2;
	v0 =	vadd.s32 v63, v0  }
0x11: {  	v3 =	vand.u32 $0x7F, v3;
	v0 =	vor.u32 v2, v0  }
0x12: {  	v0 =	vor.u32 v3, v0;
	_ =	sdelay $0x1  }
0x13: {  	(ifvalue) =	ssetifvalue $0x7FFFFFFF;
	s15 =	sadd.s32 $0x10, s15  }
0x14: {  	[tilespmem:s15], [sflag:$0x1] =	stream.indirect_vreg.gather [hbm4b:s3+s10], $0x1, v1, vm0, $0x4038;
	[tilespmem:$0x200] =	vst v63  }
0x15: {  	(ifvalue) =	ssetifvalue $0x7FFFFFFF;
	s15 =	sadd.s32 $0x10, s15  }
0x16: {  	[tilespmem:s15], [sflag:$0x1] =	stream.indirect_vreg.gather [hbm4b:s3+s10], $0x1, v0, vm0, $0x4038;
	[tilespmem:$0x200] =	vst v63  }
0x17: {  	_ =	swait.ge [sflag:s6], $0x80  }
0x18: {  	s30 =	sshrl.u32 s13, $0x3;
	[sflag:s6] =	ssyncset.done $0x0  }
0x19: {  	s31 =	sand.u32 $0x7, s13;
	s15 =	sadd.s32 s5, s30;
	[sflag:s6] =	ssyncadd.s32 $0xFFFFFF80  }
0x1a: {  	[hbm4b:s15+s31] =	stream.linear.scatter [tilespmem:s14], [sflag:$0x3], $0x80, $0x38;
	[tilespmem:$0x200] =	vst v63  }
.LBB2_5:
0x1b: {  	s15 =	sadd.s32 $0x1000, s11  }
0x1c: {  	p2 =	sgt.s32 s15, $0x17FF  }
0x1d: {  	s15 =	smov.u32 @p2 s2;
	p2 =	sne.s32 s12, s9  }
.Ltmp1:
0x1e: {  	p1 =	slt.u32 s12, $0x2;
	(pc) =	sbr.rel @!p2 .LBB2_6-.Ltmp1, $4  }
0x1f: {  	s14 =	simm.s32 @!p1 $0x3  }
0x20: {  	s16 =	sadd.s32 $0x1, s12;
	_ =	swait.ge @!p1 [sflag:s14], $0x80  }
0x21: {  	s13 =	smov.u32 s11;
	p0 =	por !p0, !p0;
	[sflag:s14] =	ssyncset.done @!p1 $0x0  }
0x22: {  	s12 =	smov.u32 s16;
	s11 =	smov.u32 s15;
	[sflag:s14] =	ssyncadd.s32 @!p1 $0xFFFFFF80  }
.LBB2_1:
0x23: {  	p1 =	sge.u32 s12, s8  }
0x24: {  	s14 =	sxor.u32 @!p1 $0xFFFFFFFF, s12  }
0x25: {  	s31 =	sadd.s32 $0xFFFFFFFF, s12;
	s15 =	sshrl.u32 @!p1 s11, $0x3;
	s14 =	sshll.u32 @!p1 s14, $0x7  }
0x26: {  	s16 =	sand.u32 @!p1 $0x7, s11;
	s15 =	sadd.s32 @!p1 s4, s15;
	s14 =	sand.u32 @!p1 $0x80, s14  }
0x27: {  	[tilespmem:s14], [sflag:$0x2] =	stream.linear.gather @!p1 [hbm4b:s15+s16], $0x80, $0x38;
	[tilespmem:$0x200] =	vst v63  }
0x28: {  	p1 =	sge.u32 s31, s8  }
.Ltmp2:
0x29: {  	_ = 	snop;
	(pc) =	sbr.rel @p1 .LBB2_5-.Ltmp2, $1  }
0x2a: {  	_ =	sdelay $0x3  }
0x2b: {  	s14 =	simm.s32 $0x1  }
0x2c: {  	_ =	swait.ge [sflag:s7], $0x80;
	s14 =	simm.s32 @!p0 $0x0  }
0x2d: {  	[sflag:s7] =	ssyncset.done $0x0;
	s14 =	sshll.u32 s14, $0x7  }
0x2e: {  	[sflag:s7] =	ssyncadd.s32 $0xFFFFFF80;
	(ifvalue) =	ssetifvalue $0x7FFFFFFF;
	v0 =	vld.msk [tilespmem:s14+$0x0 ss:$0x1], $0xffff;
	_ =	sdelay $0x2  }
0x2f: {  	s15 =	sadd.s32 $0x10, s14  }
0x30: {  	v3 =	vld.msk [tilespmem:s15+$0x0 ss:$0x1], $0xffff  }
0x31: {  	vm1 =	veq.s32 v0, $0x80000000;
	v1 =	vshll.u32 v0, $0x5  }
0x32: {  	v2 =	vshrl.u32 v0, $0xB;
	v0 =	vshll.u32 v0, $0x10;
	v1 =	vand.u32 $0xFF80, v1  }
0x33: {  	v2 =	vand.u32 $0x7F, v2;
	v0 =	vand.u32 $0x30000, v0;
	v1 =	vsel vm1, $0xFFFFFF80, v1  }
0x34: {  	v2 =	vsel vm1, $0xFFFFFFFF, v2;
	v0 =	vsel vm1, $0xFFFF0000, v0;
	v4 =	vand.u32 $0xFFFFFC00, v1  }
0x35: {  	v62 =	vshrl.u32 v3, $0xB;
	v61 =	vand.u32 $0xFFFFFC00, v2;
	v0 =	vadd.s32 v0, v4  }
0x36: {  	vm1 =	veq.s32 v3, $0x80000000;
	v1 =	vand.u32 $0x380, v1;
	v0 =	vadd.s32 v61, v0  }
0x37: {  	v2 =	vand.u32 $0x7F, v2;
	v0 =	vor.u32 v1, v0;
	v1 =	vshll.u32 v3, $0x5  }
0x38: {  	s17 =	sadd.s32 $0x10, s15;
	v4 =	vand.u32 $0x7F, v62;
	v3 =	vshll.u32 v3, $0x10;
	v1 =	vand.u32 $0xFF80, v1  }
0x39: {  	v2 =	vor.u32 v2, v0;
	v0 =	vld.msk [tilespmem:s17+$0x0 ss:$0x1], $0xffff;
	v3 =	vand.u32 $0x30000, v3;
	v1 =	vsel vm1, $0xFFFFFF80, v1  }
0x3a: {  	v4 =	vsel vm1, $0xFFFFFFFF, v4;
	v3 =	vsel vm1, $0xFFFF0000, v3;
	v5 =	vand.u32 $0xFFFFFC00, v1  }
0x3b: {  	s31 =	sshll.u32 s12, $0x7;
	v63 =	vand.u32 $0xFFFFFC00, v4;
	v3 =	vadd.s32 v3, v5  }
0x3c: {  	s16 =	simm.s32 $0x20;
	s15 =	sor.u32 $0x100, s14;
	s14 =	sand.u32 $0x80, s31;
	v1 =	vand.u32 $0x380, v1;
	v3 =	vadd.s32 v63, v3  }
0x3d: {  	s14 =	sor.u32 $0x100, s14;
	v4 =	vand.u32 $0x7F, v4;
	(ifvalue) =	ssetifvalue $0x7FFFFFFF;
	s17 =	sadd.s32 $0x10, s17;
	v1 =	vor.u32 v1, v3  }
0x3e: {  	[tilespmem:s15], [sflag:$0x1] =	stream.indirect_vreg.gather [hbm4b:s3+s10], $0x1, v2, vm0, $0x4038;
	vm1 =	veq.s32 v0, $0x80000000;
	v2 =	vshll.u32 v0, $0x5;
	v1 =	vor.u32 v4, v1;
	[tilespmem:$0x200] =	vst v63  }
.LBB2_3:
0x3f: {  	s16 =	sadd.s32 $0x10, s16;
	v3 =	vshrl.u32 v0, $0xB;
	v4 =	vshll.u32 v0, $0x10;
	v0 =	vld.msk [tilespmem:s17+$0x0 ss:$0x1], $0xffff;
	v2 =	vand.u32 $0xFF80, v2  }
0x40: {  	p1 =	slt.u32 s16, $0x70;
	v3 =	vand.u32 $0x7F, v3;
	v4 =	vand.u32 $0x30000, v4;
	v2 =	vsel vm1, $0xFFFFFF80, v2  }
.Ltmp3:
0x41: {  	v3 =	vsel vm1, $0xFFFFFFFF, v3;
	v4 =	vsel vm1, $0xFFFF0000, v4;
	v5 =	vand.u32 $0xFFFFFC00, v2;
	(pc) =	sbr.rel @p1 .LBB2_3-.Ltmp3, $4  }
0x42: {  	s15 =	sadd.s32 $0x10, s15;
	v4 =	vadd.s32 v4, v5;
	v5 =	vand.u32 $0xFFFFFC00, v3;
	(ifvalue) =	ssetifvalue $0x7FFFFFFF  }
0x43: {  	v2 =	vand.u32 $0x380, v2;
	v4 =	vadd.s32 v5, v4;
	[tilespmem:s15], [sflag:$0x1] =	stream.indirect_vreg.gather [hbm4b:s3+s10], $0x1, v1, vm0, $0x4038;
	[tilespmem:$0x200] =	vst v63  }
0x44: {  	v1 =	vand.u32 $0x7F, v3;
	v3 =	vor.u32 v2, v4  }
0x45: {  	s17 =	sadd.s32 $0x10, s17;
	vm1 =	veq.s32 v0, $0x80000000;
	v2 =	vshll.u32 v0, $0x5;
	v1 =	vor.u32 v1, v3  }
.Ltmp4:
0x46: {  	_ = 	snop;
	(pc) =	sbr.rel .LBB2_4-.Ltmp4, $1  }
0x47: {  	_ =	sdelay $0x3  }
.LBB2_6:
0x48: {  	_ =	sfence.sel $0x180000  }
0x49: {  	s2 =	simm.s32 $0x2;
	[bflag:$0x0] =	sbarrier.arrive $0xFFFF  }
0x4a: {  	s30 =	simm.s32 $0x3;
	[sflag:s2] =	ssyncpa.u1 $0x1  }
0x4b: {  	s31 =	simm.s32 $0x1;
	[sflag:s30] =	ssyncpa.u1 $0x1  }
0x4c: {  	[sflag:s31] =	ssyncpa.u1 $0x1  }
0x4d: {  	p0 =	sne.s32 s1, $0x0;
	_ =	strace $0x9000004A  }
0x4e: {  	s0 =	sadd.s32 @!p0 $0x100000, s0;
	[bflag:$0x2] =	sbarrier.arrive $0xFFFF  }
0x4f: {  	[sflag:s0] =	ssyncadd.tile.s32 @!p0 $0x1;
	_ =	shalt  }
.Lfunc_end2:
_tile_overlayer_lowered:
.L_overlay_start_2:
0x50: {  	(tag) =	ssettag $0x2  }
0x51: {  	s0 =	rddreg [dreg:$0x0];
	s2 =	stileid.u32  }
0x52: {  	s1 =	rddreg [dreg:$0x1];
	p0 =	sne.s32 s2, $0x0  }
0x53: {  	s3 =	rddreg [dreg:$0x2];
	[bflag:$0x3] =	sbarrier.arrive $0xFFFF;
	s2 =	simm.s32 @!p0 $0x1C01  }
0x54: {  	[timem:s3], [sflag:s2] =	dma.local @!p0 [hbm:s0], s1  }
0x55: {  	s0 =	simm.s32 @!p0 $0x1  }
0x56: {  	_ =	swait.ge @!p0 [sflag:s0], s1  }
0x57: {  	s1 =	ssub.s32 @!p0 $0x0, s1;
	[sflag:s0] =	ssyncset.done @!p0 $0x0  }
0x58: {  	[sflag:s0] =	ssyncadd.s32 @!p0 s1  }
0x59: {  	[bflag:$0x3] =	sbarrier.arrive $0xFFFF  }
0x5a: {  	_ =	shalt  }

// kernel: gather_offload_async_start.2
scs
__scs_entry_jumppad:
0x0: {  	(pc) =	sbr.rel $0x88, $3  }
0x1: {  	(tag) =	ssettag $0x0;
	lr =	simm.s32 $0x1  }
0x2: {  	[smem:$0x3F62] =	sst lr;
	_ =	strace $0xD0000000  }
0x3: {  	_ = 	snop  }
0x4: {  	_ = 	snop  }
0x5: {  	_ = 	snop  }
0x6: {  	_ = 	snop  }
0x7: {  	_ = 	snop  }
__scs_overlays_trampoline_lowered:
0x8: {  	[smem:$0x3F71] =	sst s0  }
0x9: {  	[smem:$0x3F72] =	sst s1  }
0xa: {  	[smem:$0x3F73] =	sst s2  }
0xb: {  	[smem:$0x3F74] =	sst s3  }
0xc: {  	[smem:$0x3F75] =	sst s4  }
0xd: {  	[smem:$0x3F76] =	sst s5  }
0xe: {  	[smem:$0x3F77] =	sst s6  }
0xf: {  	[smem:$0x3F78] =	sst s7  }
0x10: {  	[smem:$0x3F79] =	sst s8  }
0x11: {  	[smem:$0x3F7A] =	sst s9;
	s0 =	simm.s32 @!p0 $0x0  }
0x12: {  	s1 =	sld [smem:$0x3F60];
	s0 =	simm.s32 @p0 $0x1  }
0x13: {  	[smem:$0x3F7B] =	sst s0;
	s0 =	simm.s32 @!p1 $0x0  }
0x14: {  	s2 =	sld [smem:$0x3F5F];
	s0 =	simm.s32 @p1 $0x1  }
0x15: {  	[smem:$0x3F7C] =	sst s0;
	s0 =	simm.s32 @!p2 $0x0  }
0x16: {  	s3 =	sld [smem:$0x3FDB];
	s0 =	simm.s32 @p2 $0x1  }
0x17: {  	s4 =	simm.s32 $0x1BF5;
	[smem:$0x3F7E] =	sst s0  }
0x18: {  	s0 =	sld [smem:$0x3F61];
	_ =	swait.ge [sflag:s4], $0x0  }
0x19: {  	s7 =	sld [smem:$0x3F62]  }
0x1a: {  	s8 =	sadd.s32 $0xFFFFE003, lr  }
0x1b: {  	s9 =	sadd.s32 $0xFFFFFEF7, lr;
	s5 =	simm.s32 $0xFFFFFFFF;
	p2 =	slt.u32 s8, $0xFFFFF086  }
0x1c: {  	p1 =	slt.u32 s9, $0xF7A;
	s5 =	simm.s32 @!p2 $0x0  }
0x1d: {  	s5 =	simm.s32 @p1 $0x1;
	p0 =	seq.s32 s7, s2  }
0x1e: {  	s7 =	smul.u32 @!p0 $0xF7A, s2;
	p2 =	seq.s32 @!p0 s5, $0x0  }
0x1f: {  	s9 =	smul.u32 $0xF7A, s1;
	s8 =	simm.s32 @!p0 $0x1BF5;
	p2 =	por !p2, p0  }
0x20: {  	[sflag:s8] =	ssyncset.s32 @!p0 $0xFFFFF086;
	s6 =	sadd.s32 @!p0 s3, s7;
	s7 =	simm.s32 @!p0 $0x108  }
0x21: {  	s3 =	sadd.s32 s3, s9;
	s6 =	sadd.s32 @!p0 $0x88, s6;
	s7 =	simm.s32 @p2 $0x1082  }
0x22: {  	[simem:s7], [sflag:s8] =	dma.local @!p0 [hbm:s6], $0xF7A  }
0x23: {  	s9 =	sor.u32 $0xD0000000, s2;
	s6 =	simm.s32 $0x108;
	_ =	swait.ge @!p0 [sflag:s8], $0x0  }
0x24: {  	s3 =	sadd.s32 $0x88, s3;
	s6 =	simm.s32 @!p1 $0x1082;
	[sflag:s4] =	ssyncset.s32 $0xFFFFF086  }
0x25: {  	[simem:s6], [sflag:s4] =	dma.local [hbm:s3], $0xF7A  }
0x26: {  	[smem:$0x3F62] =	sst s1;
	(tag) =	ssettag s2;
	_ =	strace s9  }
0x27: {  	s1 =	sld [smem:$0x3F72]  }
0x28: {  	s2 =	sld [smem:$0x3F73]  }
0x29: {  	s4 =	sld [smem:$0x3F75]  }
0x2a: {  	p0 =	seq.s32 s5, $0x0;
	s5 =	sld [smem:$0x3F76]  }
0x2b: {  	s6 =	sld [smem:$0x3F77]  }
0x2c: {  	s7 =	sld [smem:$0x3F78]  }
0x2d: {  	s3 =	simm.s32 $0x108;
	s8 =	sld [smem:$0x3F79]  }
0x2e: {  	s3 =	simm.s32 @!p0 $0x1082;
	s9 =	sld [smem:$0x3F7A]  }
0x2f: {  	lr =	sadd.s32 s0, s3;
	s0 =	sld [smem:$0x3F71]  }
0x30: {  	s3 =	sld [smem:$0x3F74]  }
0x31: {  	[smem:$0x3F7D] =	sst s10  }
0x32: {  	s10 =	sld [smem:$0x3F7B];
	_ =	sdelay $0x3  }
0x33: {  	p0 =	seq.s32 s10, $0x1;
	s10 =	sld [smem:$0x3F7D];
	_ =	sdelay $0x3  }
0x34: {  	[smem:$0x3F7D] =	sst s10  }
0x35: {  	s10 =	sld [smem:$0x3F7C];
	_ =	sdelay $0x3  }
0x36: {  	p1 =	seq.s32 s10, $0x1;
	s10 =	sld [smem:$0x3F7D];
	_ =	sdelay $0x3  }
0x37: {  	[smem:$0x3F7D] =	sst s10  }
0x38: {  	s10 =	sld [smem:$0x3F7E]  }
0x39: {  	_ = 	snop;
	(pc) =	sbr.ind lr, $3  }
0x3a: {  	_ = 	snop  }
0x3b: {  	_ = 	snop  }
0x3c: {  	p2 =	seq.s32 s10, $0x1;
	s10 =	sld [smem:$0x3F7D]  }
0x3d: {  	_ =	shalt  }
0x3e: {  	_ =	shalt  }
0x3f: {  	_ =	shalt  }
0x40: {  	_ =	shalt  }
0x41: {  	_ =	shalt  }
0x42: {  	_ =	shalt  }
0x43: {  	_ =	shalt  }
0x44: {  	_ =	shalt  }
0x45: {  	_ =	shalt  }
0x46: {  	_ =	shalt  }
0x47: {  	_ =	shalt  }
0x48: {  	_ =	shalt  }
0x49: {  	_ =	shalt  }
0x4a: {  	_ =	shalt  }
0x4b: {  	_ =	shalt  }
0x4c: {  	_ =	shalt  }
0x4d: {  	_ =	shalt  }
0x4e: {  	_ =	shalt  }
0x4f: {  	_ =	shalt  }
0x50: {  	_ =	shalt  }
0x51: {  	_ =	shalt  }
0x52: {  	_ =	shalt  }
0x53: {  	_ =	shalt  }
0x54: {  	_ =	shalt  }
0x55: {  	_ =	shalt  }
0x56: {  	_ =	shalt  }
0x57: {  	_ =	shalt  }
0x58: {  	_ =	shalt  }
0x59: {  	_ =	shalt  }
0x5a: {  	_ =	shalt  }
0x5b: {  	_ =	shalt  }
0x5c: {  	_ =	shalt  }
0x5d: {  	_ =	shalt  }
0x5e: {  	_ =	shalt  }
0x5f: {  	_ =	shalt  }
0x60: {  	_ =	shalt  }
0x61: {  	_ =	shalt  }
0x62: {  	_ =	shalt  }
0x63: {  	_ =	shalt  }
0x64: {  	_ =	shalt  }
0x65: {  	_ =	shalt  }
0x66: {  	_ =	shalt  }
0x67: {  	_ =	shalt  }
0x68: {  	_ =	shalt  }
0x69: {  	_ =	shalt  }
0x6a: {  	_ =	shalt  }
0x6b: {  	_ =	shalt  }
0x6c: {  	_ =	shalt  }
0x6d: {  	_ =	shalt  }
0x6e: {  	_ =	shalt  }
0x6f: {  	_ =	shalt  }
0x70: {  	_ =	shalt  }
0x71: {  	_ =	shalt  }
0x72: {  	_ =	shalt  }
0x73: {  	_ =	shalt  }
0x74: {  	_ =	shalt  }
0x75: {  	_ =	shalt  }
0x76: {  	_ =	shalt  }
0x77: {  	_ =	shalt  }
0x78: {  	_ =	shalt  }
0x79: {  	_ =	shalt  }
0x7a: {  	_ =	shalt  }
0x7b: {  	_ =	shalt  }
0x7c: {  	_ =	shalt  }
0x7d: {  	_ =	shalt  }
0x7e: {  	_ =	shalt  }
0x7f: {  	_ =	shalt  }
0x80: {  	_ =	shalt  }
0x81: {  	_ =	shalt  }
0x82: {  	_ =	shalt  }
0x83: {  	_ =	shalt  }
0x84: {  	_ =	shalt  }
0x85: {  	_ =	shalt  }
0x86: {  	_ =	shalt  }
0x87: {  	_ =	shalt  }
.Lfunc_end0:
.L_simem_size_0:
called_computation.5_lowered:
.L_overlay_start_0:
0x88: {  	s2 =	sld [smem:$0x3FD9]  }
0x89: {  	s3 =	sld [smem:$0x3FFE];
	_ =	sdelay $0x1  }
0x8a: {  	s1 =	srdreg.scid  }
0x8b: {  	s0 =	sand.u32 $0x1, s1  }
0x8c: {  	s17 =	sshll.u32 s0, $0xA;
	s2 =	sadd.s32 s3, s2  }
0x8d: {  	s2 =	sadd.s32 s2, s17  }
0x8e: {  	[smem:$0x3F89] =	sst s2  }
0x8f: {  	_ = 	snop  }
0x90: {  	(tm) =	ssettm $0x1  }
0x91: {  	s18 =	sld [smem:$0x3FFB];
	_ =	sdelay $0x3  }
0x92: {  	_ =	strace s18  }
0x93: {  	s2 =	sld [smem:$0x3FFC];
	_ =	sdelay $0x3  }
0x94: {  	_ =	strace s2  }
0x95: {  	s2 =	sld [smem:$0x3FFD];
	_ =	sdelay $0x3  }
0x96: {  	_ =	strace s2  }
0x97: {  	_ =	strace $0x8FFFFFFF  }
0x98: {  	s19 =	sld [smem:$0x3FDB];
	_ =	sdelay $0x1  }
0x99: {  	s20 =	simm.s32 $_scs_section_size  }
0x9a: {  	s4 =	simm.s32 $_size__tile_overlayer_lowered;
	s5 =	simm.s32 $_tile_overlayer_lowered  }
0x9b: {  	s6 =	simm.s32 $0x1BFF;
	s21 =	sshll.u32 s5, $0x1;
	s3 =	sadd.s32 s20, s19  }
0x9c: {  	s22 =	simm.s32 $0x0;
	s4 =	sshll.u32 s4, $0x1;
	s5 =	sadd.s32 s21, s3  }
0x9d: {  	[timem:s22], [sflag:s6] =	dma.local [hbm:s5], s4  }
0x9e: {  	_ =	swait.ge [sflag:s6], s4  }
0x9f: {  	s4 =	ssub.s32 $0x0, s4;
	[sflag:s6] =	ssyncset.done $0x0  }
0xa0: {  	[sflag:s6] =	ssyncadd.s32 s4;
	_ =	sdelay $0x1  }
0xa1: {  	s23 =	simm.s32 $0x1B8B  }
0xa2: {  	_ =	swait.ge [sflag:s23], $0x1  }
0xa3: {  	[sflag:s23] =	ssyncset.done $0x0  }
0xa4: {  	[sflag:s23] =	ssyncadd.s32 $0xFFFFFFFF  }
0xa5: {  	s4 =	sld [smem:$0x0]  }
0xa6: {  	s5 =	sand.u32 $0xFFFFFFFE, s1  }
0xa7: {  	p0 =	sne.s32 s1, s5  }
0xa8: {  	s5 =	sshll.u32 @p0 s5, $0xE  }
0xa9: {  	s5 =	sadd.s32 @p0 $0x11B8D, s5;
	s6 =	sshll.u32 @p0 s4, $0x11  }
0xaa: {  	s5 =	sor.u32 @p0 s6, s5  }
0xab: {  	[sflag:s5] =	ssyncadd.remote.s32 @p0 $0x1;
	_ =	sdelay $0x1  }
0xac: {  	s5 =	simm.s32 @p0 $0x1B8D  }
0xad: {  	_ =	swait.eq @p0 [sflag:s5], $0x1  }
0xae: {  	[sflag:s5] =	ssyncadd.s32 @p0 $0xFFFFFFFF  }
0xaf: {  	s6 =	sshll.u32 @!p0 s1, $0xE  }
0xb0: {  	s6 =	sor.u32 @!p0 $0x4000, s6;
	s5 =	simm.s32 @!p0 $0x1B8D  }
0xb1: {  	s4 =	sshll.u32 @!p0 s4, $0x11;
	s6 =	sadd.s32 @!p0 $0x11B8D, s6;
	_ =	swait.eq @!p0 [sflag:s5], $0x1  }
0xb2: {  	s4 =	sor.u32 @!p0 s4, s6;
	[sflag:s5] =	ssyncadd.s32 @!p0 $0xFFFFFFFF  }
0xb3: {  	s25 =	simm.s32 $0x1B8E;
	s24 =	sld [smem:$0x3FFE];
	[sflag:s4] =	ssyncadd.remote.s32 @!p0 $0x1  }
0xb4: {  	s26 =	simm.s32 $execute0_lowered;
	[smem:$0x3FD2] =	sst s25  }
0xb5: {  	s5 =	sshll.u32 s26, $0x1;
	_ =	strace $0x8000004C;
	[dreg:$0x1] =	wrdreg $0xFFFFFFFF  }
0xb6: {  	s28 =	simm.s32 $_size_execute0_lowered;
	s3 =	sadd.s32 s3, s5;
	[dreg:$0x0] =	wrdreg $0x0  }
0xb7: {  	s5 =	sshll.u32 s28, $0x1;
	[dreg:$0x2] =	wrdreg s3  }
0xb8: {  	[dreg:$0x3] =	wrdreg s5  }
0xb9: {  	[dreg:$0x4] =	wrdreg $0xC0  }
0xba: {  	_ =	task [dreg:s22], $0x5FFFF  }
0xbb: {  	[dreg:$0x1] =	wrdreg $0xFFFFFFFF  }
0xbc: {  	[dreg:$0x0] =	wrdreg $0x60  }
0xbd: {  	[dreg:$0x2] =	wrdreg s24  }
0xbe: {  	[dreg:$0x3] =	wrdreg $0xC  }
0xbf: {  	_ =	task.clear_ibuf [dreg:s22], $0x4FFFF;
	_ =	strace $0x9000004C  }
0xc0: {  	s29 =	simm.s32 $0xC;
	_ =	strace $0x8000004E  }
0xc1: {  	_ =	swait.ge [sflag:s29], $0x1  }
0xc2: {  	[sflag:s29] =	ssyncadd.s32 $0xFFFFFFFF  }
0xc3: {  	_ =	strace $0x9000004E  }
0xc4: {  	_ =	sfence  }
0xc5: {  	s30 =	sld [smem:$0x0];
	_ =	sdelay $0x2  }
0xc6: {  	s31 =	sshll.u32 s1, $0xD;
	s1 =	sshrl.u32 s1, $0x2  }
0xc7: {  	s4 =	sand.u32 $0x4000, s31;
	s1 =	sadd.s32 s1, s30  }
0xc8: {  	s0 =	sor.u32 s4, s0;
	s1 =	sshll.u32 s1, $0x11  }
0xc9: {  	s0 =	sor.u32 s1, s0  }
0xca: {  	s0 =	sadd.s32 $0x8F2B, s0  }
0xcb: {  	[sflag:s0] =	ssyncadd.remote.s32 $0x1  }
0xcc: {  	_ =	sfence.sel $0xFFFF  }
0xcd: {  	[dreg:$0x0] =	wrdreg $0xFFFFFFFF;
	(pc) =	sbr.abs _section_cstart, $3  }
0xce: {  	[dreg:$0x1] =	wrdreg $0xFFFFFFFF  }
0xcf: {  	_ =	task.clear_ibuf [dreg:s22], $0x2FFFF;
	_ =	strace $0x9FFFFFFF  }
0xd0: {  	(tm) =	ssettm $0x7FFFFFFF  }
0xd1: {  	_ =	shalt  }
tec
execute0_lowered:
.L_overlay_start_1:
0x0: {  	(tag) =	ssettag $0x1  }
0x1: {  	s0 =	srdreg.scid;
	s5 =	rddreg [dreg:$0x0]  }
0x2: {  	s1 =	stileid.u32;
	s6 =	simm.s32 $0x1;
	s9 =	simm.s32 $0x1  }
0x3: {  	s10 =	simm.s32 $0x3;
	s13 =	simm.s32 $0x0;
	s2 =	sshll.u32 s0, $0x9  }
0x4: {  	s12 =	simm.s32 $0x0;
	s3 =	sshll.u32 s1, $0xA;
	s2 =	sand.u32 $0x200, s2  }
0x5: {  	s0 =	rddreg [dreg:$0x1];
	_ =	strace $0x8000004D;
	s2 =	sor.u32 s3, s2  }
0x6: {  	s4 =	sadd.s32 $0x43600, s5;
	[sflag:s6] =	ssyncpa.u1 $0x0;
	s8 =	ssub.s32 $0x6000, s2  }
.Ltmp0:
0x7: {  	s3 =	sadd.s32 $0x4AC00, s5;
	s7 =	sand.u32 $0x3E00, s8;
	(pc) =	sbr.rel .LBB2_1-.Ltmp0, $4  }
0x8: {  	s5 =	sadd.s32 $0x44200, s5;
	s11 =	smov.u32 s2;
	p0 =	sne.s32 s7, $0x0  }
0x9: {  	s8 =	sshrl.u32 s8, $0xE;
	s7 =	simm.s32 $0x2;
	s9 =	simm.s32 @!p0 $0x0  }
0xa: {  	[sflag:s7] =	ssyncpa.u1 $0x0;
	p0 =	por $0x0, $0x0;
	s8 =	sadd.s32 s9, s8  }
0xb: {  	vm0 =	vmmov $0xffff;
	[sflag:s10] =	ssyncpa.u1 $0x0;
	s10 =	simm.s32 $0x0;
	s9 =	sadd.s32 $0x1, s8  }
.LBB2_4:
0xc: {  	v3 =	vshrl.u32 v0, $0x2;
	v4 =	vshrl.u32 v0, $0xD;
	v1 =	vor.u32 v1, v2  }
0xd: {  	v62 =	vshll.u32 v0, $0x14;
	v60 =	vand.u32 $0x7FF, v3;
	v61 =	vand.u32 $0x1FF, v4  }
0xe: {  	v0 =	vand.u32 $0x300000, v62;
	v2 =	vsel vm1, $0xFFFFFFFF, v60;
	v3 =	vsel vm1, $0xFFFFFFFF, v61  }
0xf: {  	v0 =	vsel vm1, $0xFFF00000, v0;
	v63 =	vand.u32 $0x7F, v2;
	v5 =	vshll.u32 v3, $0xB  }
0x10: {  	v2 =	vshll.u32 v2, $0x3;
	v5 =	vand.u32 $0xFFFFC000, v5;
	v0 =	vor.u32 v0, v63  }
0x11: {  	v3 =	vshll.u32 v3, $0x7;
	v2 =	vand.u32 $0xFFFFFC00, v2;
	v0 =	vadd.s32 v5, v0  }
0x12: {  	v3 =	vand.u32 $0x380, v3;
	v0 =	vadd.s32 v2, v0  }
0x13: {  	v0 =	vor.u32 v3, v0;
	_ =	sdelay $0x1  }
0x14: {  	(ifvalue) =	ssetifvalue $0x7FFFFFFF;
	s14 =	sadd.s32 $0x10, s14  }
0x15: {  	[tilespmem:s14], [sflag:$0x1] =	stream.indirect_vreg.gather [hbm4b:s3+s10], $0x1, v1, vm0, $0x4038;
	[tilespmem:$0x800] =	vst v63  }
0x16: {  	(ifvalue) =	ssetifvalue $0x7FFFFFFF;
	s14 =	sadd.s32 $0x10, s14  }
0x17: {  	[tilespmem:s14], [sflag:$0x1] =	stream.indirect_vreg.gather [hbm4b:s3+s10], $0x1, v0, vm0, $0x4038;
	[tilespmem:$0x800] =	vst v63  }
0x18: {  	_ =	swait.ge [sflag:s6], $0x200  }
0x19: {  	s30 =	sshrl.u32 s13, $0x3;
	[sflag:s6] =	ssyncset.done $0x0  }
0x1a: {  	s31 =	sand.u32 $0x7, s13;
	s14 =	sadd.s32 s5, s30;
	[sflag:s6] =	ssyncadd.s32 $0xFFFFFE00  }
0x1b: {  	[hbm4b:s14+s31] =	stream.linear.scatter [tilespmem:s15], [sflag:$0x3], $0x200, $0x38;
	[tilespmem:$0x800] =	vst v63  }
.LBB2_5:
0x1c: {  	s15 =	sadd.s32 $0x4000, s11  }
0x1d: {  	p2 =	sgt.s32 s15, $0x5FFF  }
0x1e: {  	s15 =	smov.u32 @p2 s2;
	p2 =	sne.s32 s12, s9  }
.Ltmp1:
0x1f: {  	p1 =	slt.u32 s12, $0x2;
	(pc) =	sbr.rel @!p2 .LBB2_6-.Ltmp1, $4  }
0x20: {  	s14 =	simm.s32 @!p1 $0x3  }
0x21: {  	s16 =	sadd.s32 $0x1, s12;
	_ =	swait.ge @!p1 [sflag:s14], $0x200  }
0x22: {  	s13 =	smov.u32 s11;
	p0 =	por !p0, !p0;
	[sflag:s14] =	ssyncset.done @!p1 $0x0  }
0x23: {  	s12 =	smov.u32 s16;
	s11 =	smov.u32 s15;
	[sflag:s14] =	ssyncadd.s32 @!p1 $0xFFFFFE00  }
.LBB2_1:
0x24: {  	p1 =	sge.u32 s12, s8  }
0x25: {  	s14 =	sxor.u32 @!p1 $0xFFFFFFFF, s12  }
0x26: {  	s31 =	sadd.s32 $0xFFFFFFFF, s12;
	s15 =	sshrl.u32 @!p1 s11, $0x3;
	s14 =	sshll.u32 @!p1 s14, $0x9  }
0x27: {  	s16 =	sand.u32 @!p1 $0x7, s11;
	s15 =	sadd.s32 @!p1 s4, s15;
	s14 =	sand.u32 @!p1 $0x200, s14  }
0x28: {  	[tilespmem:s14], [sflag:$0x2] =	stream.linear.gather @!p1 [hbm4b:s15+s16], $0x200, $0x38;
	[tilespmem:$0x800] =	vst v63  }
0x29: {  	p1 =	sge.u32 s31, s8  }
.Ltmp2:
0x2a: {  	_ = 	snop;
	(pc) =	sbr.rel @p1 .LBB2_5-.Ltmp2, $1  }
0x2b: {  	_ =	sdelay $0x3  }
0x2c: {  	s14 =	simm.s32 $0x1  }
0x2d: {  	_ =	swait.ge [sflag:s7], $0x200;
	s14 =	simm.s32 @!p0 $0x0  }
0x2e: {  	[sflag:s7] =	ssyncset.done $0x0;
	s14 =	sshll.u32 s14, $0x9  }
0x2f: {  	[sflag:s7] =	ssyncadd.s32 $0xFFFFFE00;
	(ifvalue) =	ssetifvalue $0x7FFFFFFF;
	v0 =	vld.msk [tilespmem:s14+$0x0 ss:$0x1], $0xffff;
	_ =	sdelay $0x4  }
0x30: {  	s15 =	sadd.s32 $0x10, s14;
	vm1 =	veq.s32 v0, $0x80000000;
	v1 =	vshrl.u32 v0, $0x2;
	v2 =	vshrl.u32 v0, $0xD  }
0x31: {  	v3 =	vld.msk [tilespmem:s15+$0x0 ss:$0x1], $0xffff;
	v0 =	vshll.u32 v0, $0x14;
	v1 =	vand.u32 $0x7FF, v1;
	v2 =	vand.u32 $0x1FF, v2  }
0x32: {  	v0 =	vand.u32 $0x300000, v0;
	v1 =	vsel vm1, $0xFFFFFFFF, v1;
	v2 =	vsel vm1, $0xFFFFFFFF, v2  }
0x33: {  	v0 =	vsel vm1, $0xFFF00000, v0;
	v4 =	vand.u32 $0x7F, v1;
	v5 =	vshll.u32 v2, $0xB  }
0x34: {  	v1 =	vshll.u32 v1, $0x3;
	v5 =	vand.u32 $0xFFFFC000, v5;
	v0 =	vor.u32 v0, v4  }
0x35: {  	v2 =	vshll.u32 v2, $0x7;
	v1 =	vand.u32 $0xFFFFFC00, v1;
	v0 =	vadd.s32 v5, v0  }
0x36: {  	v62 =	vshrl.u32 v3, $0xD;
	v2 =	vand.u32 $0x380, v2;
	v0 =	vadd.s32 v1, v0  }
0x37: {  	s17 =	sadd.s32 $0x10, s15;
	vm1 =	veq.s32 v3, $0x80000000;
	v1 =	vor.u32 v2, v0;
	v2 =	vshrl.u32 v3, $0x2  }
0x38: {  	v4 =	vand.u32 $0x1FF, v62;
	v0 =	vld.msk [tilespmem:s17+$0x0 ss:$0x1], $0xffff;
	v3 =	vshll.u32 v3, $0x14;
	v2 =	vand.u32 $0x7FF, v2  }
0x39: {  	v4 =	vsel vm1, $0xFFFFFFFF, v4;
	v3 =	vand.u32 $0x300000, v3;
	v2 =	vsel vm1, $0xFFFFFFFF, v2  }
0x3a: {  	s31 =	sshll.u32 s12, $0x9;
	v6 =	vshll.u32 v4, $0xB;
	v3 =	vsel vm1, $0xFFF00000, v3;
	v63 =	vand.u32 $0x7F, v2  }
0x3b: {  	s14 =	sor.u32 $0x400, s14;
	s15 =	sand.u32 $0x200, s31;
	(ifvalue) =	ssetifvalue $0x7FFFFFFF;
	v6 =	vand.u32 $0xFFFFC000, v6;
	v2 =	vshll.u32 v2, $0x3;
	v3 =	vor.u32 v3, v63  }
0x3c: {  	v2 =	vand.u32 $0xFFFFFC00, v2;
	[tilespmem:s14], [sflag:$0x1] =	stream.indirect_vreg.gather [hbm4b:s3+s10], $0x1, v1, vm0, $0x4038;
	v1 =	vshll.u32 v4, $0x7;
	v3 =	vadd.s32 v6, v3;
	[tilespmem:$0x800] =	vst v63  }
0x3d: {  	s16 =	simm.s32 $0x20;
	s15 =	sor.u32 $0x400, s15;
	s17 =	sadd.s32 $0x10, s17;
	vm1 =	veq.s32 v0, $0x80000000;
	v1 =	vand.u32 $0x380, v1;
	v2 =	vadd.s32 v2, v3  }
.LBB2_3:
0x3e: {  	v3 =	vld.msk [tilespmem:s17+$0x0 ss:$0x1], $0xffff;
	v4 =	vshrl.u32 v0, $0x2;
	v5 =	vshrl.u32 v0, $0xD;
	v1 =	vor.u32 v1, v2;
	s16 =	sadd.s32 $0x10, s16  }
0x3f: {  	v0 =	vshll.u32 v0, $0x14;
	v2 =	vand.u32 $0x7FF, v4;
	v4 =	vand.u32 $0x1FF, v5;
	p1 =	slt.u32 s16, $0x1F0  }
.Ltmp3:
0x40: {  	v0 =	vand.u32 $0x300000, v0;
	v2 =	vsel vm1, $0xFFFFFFFF, v2;
	v4 =	vsel vm1, $0xFFFFFFFF, v4;
	(pc) =	sbr.rel @p1 .LBB2_3-.Ltmp3, $4  }
0x41: {  	v0 =	vsel vm1, $0xFFF00000, v0;
	v5 =	vand.u32 $0x7F, v2;
	v6 =	vshll.u32 v4, $0xB  }
0x42: {  	s14 =	sadd.s32 $0x10, s14;
	v2 =	vshll.u32 v2, $0x3;
	v6 =	vand.u32 $0xFFFFC000, v6;
	v7 =	vor.u32 v0, v5;
	(ifvalue) =	ssetifvalue $0x7FFFFFFF  }
0x43: {  	v4 =	vshll.u32 v4, $0x7;
	v2 =	vand.u32 $0xFFFFFC00, v2;
	v5 =	vadd.s32 v6, v7;
	[tilespmem:s14], [sflag:$0x1] =	stream.indirect_vreg.gather [hbm4b:s3+s10], $0x1, v1, vm0, $0x4038;
	[tilespmem:$0x800] =	vst v63  }
0x44: {  	s17 =	sadd.s32 $0x10, s17;
	vm1 =	veq.s32 v3, $0x80000000;
	v1 =	vand.u32 $0x380, v4;
	v0 =	vmovc v3;
	v2 =	vadd.s32 v2, v5  }
.Ltmp4:
0x45: {  	_ = 	snop;
	(pc) =	sbr.rel .LBB2_4-.Ltmp4, $1  }
0x46: {  	_ =	sdelay $0x3  }
.LBB2_6:
0x47: {  	_ =	sfence.sel $0x180000  }
0x48: {  	s2 =	simm.s32 $0x2;
	[bflag:$0x0] =	sbarrier.arrive $0xFFFF  }
0x49: {  	s30 =	simm.s32 $0x3;
	[sflag:s2] =	ssyncpa.u1 $0x1  }
0x4a: {  	s31 =	simm.s32 $0x1;
	[sflag:s30] =	ssyncpa.u1 $0x1  }
0x4b: {  	[sflag:s31] =	ssyncpa.u1 $0x1  }
0x4c: {  	p0 =	sne.s32 s1, $0x0;
	_ =	strace $0x9000004D  }
0x4d: {  	s0 =	sadd.s32 @!p0 $0x100000, s0;
	[bflag:$0x2] =	sbarrier.arrive $0xFFFF  }
0x4e: {  	[sflag:s0] =	ssyncadd.tile.s32 @!p0 $0x1;
	_ =	shalt  }
.Lfunc_end2:
_tile_overlayer_lowered:
.L_overlay_start_2:
0x4f: {  	(tag) =	ssettag $0x2  }
0x50: {  	s0 =	rddreg [dreg:$0x0];
	s2 =	stileid.u32  }
0x51: {  	s1 =	rddreg [dreg:$0x1];
	p0 =	sne.s32 s2, $0x0  }
0x52: {  	s3 =	rddreg [dreg:$0x2];
	[bflag:$0x3] =	sbarrier.arrive $0xFFFF;
	s2 =	simm.s32 @!p0 $0x1C01  }
0x53: {  	[timem:s3], [sflag:s2] =	dma.local @!p0 [hbm:s0], s1  }
0x54: {  	s0 =	simm.s32 @!p0 $0x1  }
0x55: {  	_ =	swait.ge @!p0 [sflag:s0], s1  }
0x56: {  	s1 =	ssub.s32 @!p0 $0x0, s1;
	[sflag:s0] =	ssyncset.done @!p0 $0x0  }
0x57: {  	[sflag:s0] =	ssyncadd.s32 @!p0 s1  }
0x58: {  	[bflag:$0x3] =	sbarrier.arrive $0xFFFF  }
0x59: {  	_ =	shalt  }

// kernel: gather_offload_async_start
scs
__scs_entry_jumppad:
0x0: {  	(pc) =	sbr.rel $0x88, $3  }
0x1: {  	(tag) =	ssettag $0x0;
	lr =	simm.s32 $0x1  }
0x2: {  	[smem:$0x3F62] =	sst lr;
	_ =	strace $0xD0000000  }
0x3: {  	_ = 	snop  }
0x4: {  	_ = 	snop  }
0x5: {  	_ = 	snop  }
0x6: {  	_ = 	snop  }
0x7: {  	_ = 	snop  }
__scs_overlays_trampoline_lowered:
0x8: {  	[smem:$0x3F71] =	sst s0  }
0x9: {  	[smem:$0x3F72] =	sst s1  }
0xa: {  	[smem:$0x3F73] =	sst s2  }
0xb: {  	[smem:$0x3F74] =	sst s3  }
0xc: {  	[smem:$0x3F75] =	sst s4  }
0xd: {  	[smem:$0x3F76] =	sst s5  }
0xe: {  	[smem:$0x3F77] =	sst s6  }
0xf: {  	[smem:$0x3F78] =	sst s7  }
0x10: {  	[smem:$0x3F79] =	sst s8  }
0x11: {  	[smem:$0x3F7A] =	sst s9;
	s0 =	simm.s32 @!p0 $0x0  }
0x12: {  	s1 =	sld [smem:$0x3F60];
	s0 =	simm.s32 @p0 $0x1  }
0x13: {  	[smem:$0x3F7B] =	sst s0;
	s0 =	simm.s32 @!p1 $0x0  }
0x14: {  	s2 =	sld [smem:$0x3F5F];
	s0 =	simm.s32 @p1 $0x1  }
0x15: {  	[smem:$0x3F7C] =	sst s0;
	s0 =	simm.s32 @!p2 $0x0  }
0x16: {  	s3 =	sld [smem:$0x3FDB];
	s0 =	simm.s32 @p2 $0x1  }
0x17: {  	s4 =	simm.s32 $0x1BF5;
	[smem:$0x3F7E] =	sst s0  }
0x18: {  	s0 =	sld [smem:$0x3F61];
	_ =	swait.ge [sflag:s4], $0x0  }
0x19: {  	s7 =	sld [smem:$0x3F62]  }
0x1a: {  	s8 =	sadd.s32 $0xFFFFE003, lr  }
0x1b: {  	s9 =	sadd.s32 $0xFFFFFEF7, lr;
	s5 =	simm.s32 $0xFFFFFFFF;
	p2 =	slt.u32 s8, $0xFFFFF086  }
0x1c: {  	p1 =	slt.u32 s9, $0xF7A;
	s5 =	simm.s32 @!p2 $0x0  }
0x1d: {  	s5 =	simm.s32 @p1 $0x1;
	p0 =	seq.s32 s7, s2  }
0x1e: {  	s7 =	smul.u32 @!p0 $0xF7A, s2;
	p2 =	seq.s32 @!p0 s5, $0x0  }
0x1f: {  	s9 =	smul.u32 $0xF7A, s1;
	s8 =	simm.s32 @!p0 $0x1BF5;
	p2 =	por !p2, p0  }
0x20: {  	[sflag:s8] =	ssyncset.s32 @!p0 $0xFFFFF086;
	s6 =	sadd.s32 @!p0 s3, s7;
	s7 =	simm.s32 @!p0 $0x108  }
0x21: {  	s3 =	sadd.s32 s3, s9;
	s6 =	sadd.s32 @!p0 $0x88, s6;
	s7 =	simm.s32 @p2 $0x1082  }
0x22: {  	[simem:s7], [sflag:s8] =	dma.local @!p0 [hbm:s6], $0xF7A  }
0x23: {  	s9 =	sor.u32 $0xD0000000, s2;
	s6 =	simm.s32 $0x108;
	_ =	swait.ge @!p0 [sflag:s8], $0x0  }
0x24: {  	s3 =	sadd.s32 $0x88, s3;
	s6 =	simm.s32 @!p1 $0x1082;
	[sflag:s4] =	ssyncset.s32 $0xFFFFF086  }
0x25: {  	[simem:s6], [sflag:s4] =	dma.local [hbm:s3], $0xF7A  }
0x26: {  	[smem:$0x3F62] =	sst s1;
	(tag) =	ssettag s2;
	_ =	strace s9  }
0x27: {  	s1 =	sld [smem:$0x3F72]  }
0x28: {  	s2 =	sld [smem:$0x3F73]  }
0x29: {  	s4 =	sld [smem:$0x3F75]  }
0x2a: {  	p0 =	seq.s32 s5, $0x0;
	s5 =	sld [smem:$0x3F76]  }
0x2b: {  	s6 =	sld [smem:$0x3F77]  }
0x2c: {  	s7 =	sld [smem:$0x3F78]  }
0x2d: {  	s3 =	simm.s32 $0x108;
	s8 =	sld [smem:$0x3F79]  }
0x2e: {  	s3 =	simm.s32 @!p0 $0x1082;
	s9 =	sld [smem:$0x3F7A]  }
0x2f: {  	lr =	sadd.s32 s0, s3;
	s0 =	sld [smem:$0x3F71]  }
0x30: {  	s3 =	sld [smem:$0x3F74]  }
0x31: {  	[smem:$0x3F7D] =	sst s10  }
0x32: {  	s10 =	sld [smem:$0x3F7B];
	_ =	sdelay $0x3  }
0x33: {  	p0 =	seq.s32 s10, $0x1;
	s10 =	sld [smem:$0x3F7D];
	_ =	sdelay $0x3  }
0x34: {  	[smem:$0x3F7D] =	sst s10  }
0x35: {  	s10 =	sld [smem:$0x3F7C];
	_ =	sdelay $0x3  }
0x36: {  	p1 =	seq.s32 s10, $0x1;
	s10 =	sld [smem:$0x3F7D];
	_ =	sdelay $0x3  }
0x37: {  	[smem:$0x3F7D] =	sst s10  }
0x38: {  	s10 =	sld [smem:$0x3F7E]  }
0x39: {  	_ = 	snop;
	(pc) =	sbr.ind lr, $3  }
0x3a: {  	_ = 	snop  }
0x3b: {  	_ = 	snop  }
0x3c: {  	p2 =	seq.s32 s10, $0x1;
	s10 =	sld [smem:$0x3F7D]  }
0x3d: {  	_ =	shalt  }
0x3e: {  	_ =	shalt  }
0x3f: {  	_ =	shalt  }
0x40: {  	_ =	shalt  }
0x41: {  	_ =	shalt  }
0x42: {  	_ =	shalt  }
0x43: {  	_ =	shalt  }
0x44: {  	_ =	shalt  }
0x45: {  	_ =	shalt  }
0x46: {  	_ =	shalt  }
0x47: {  	_ =	shalt  }
0x48: {  	_ =	shalt  }
0x49: {  	_ =	shalt  }
0x4a: {  	_ =	shalt  }
0x4b: {  	_ =	shalt  }
0x4c: {  	_ =	shalt  }
0x4d: {  	_ =	shalt  }
0x4e: {  	_ =	shalt  }
0x4f: {  	_ =	shalt  }
0x50: {  	_ =	shalt  }
0x51: {  	_ =	shalt  }
0x52: {  	_ =	shalt  }
0x53: {  	_ =	shalt  }
0x54: {  	_ =	shalt  }
0x55: {  	_ =	shalt  }
0x56: {  	_ =	shalt  }
0x57: {  	_ =	shalt  }
0x58: {  	_ =	shalt  }
0x59: {  	_ =	shalt  }
0x5a: {  	_ =	shalt  }
0x5b: {  	_ =	shalt  }
0x5c: {  	_ =	shalt  }
0x5d: {  	_ =	shalt  }
0x5e: {  	_ =	shalt  }
0x5f: {  	_ =	shalt  }
0x60: {  	_ =	shalt  }
0x61: {  	_ =	shalt  }
0x62: {  	_ =	shalt  }
0x63: {  	_ =	shalt  }
0x64: {  	_ =	shalt  }
0x65: {  	_ =	shalt  }
0x66: {  	_ =	shalt  }
0x67: {  	_ =	shalt  }
0x68: {  	_ =	shalt  }
0x69: {  	_ =	shalt  }
0x6a: {  	_ =	shalt  }
0x6b: {  	_ =	shalt  }
0x6c: {  	_ =	shalt  }
0x6d: {  	_ =	shalt  }
0x6e: {  	_ =	shalt  }
0x6f: {  	_ =	shalt  }
0x70: {  	_ =	shalt  }
0x71: {  	_ =	shalt  }
0x72: {  	_ =	shalt  }
0x73: {  	_ =	shalt  }
0x74: {  	_ =	shalt  }
0x75: {  	_ =	shalt  }
0x76: {  	_ =	shalt  }
0x77: {  	_ =	shalt  }
0x78: {  	_ =	shalt  }
0x79: {  	_ =	shalt  }
0x7a: {  	_ =	shalt  }
0x7b: {  	_ =	shalt  }
0x7c: {  	_ =	shalt  }
0x7d: {  	_ =	shalt  }
0x7e: {  	_ =	shalt  }
0x7f: {  	_ =	shalt  }
0x80: {  	_ =	shalt  }
0x81: {  	_ =	shalt  }
0x82: {  	_ =	shalt  }
0x83: {  	_ =	shalt  }
0x84: {  	_ =	shalt  }
0x85: {  	_ =	shalt  }
0x86: {  	_ =	shalt  }
0x87: {  	_ =	shalt  }
.Lfunc_end0:
.L_simem_size_0:
called_computation.3_lowered:
.L_overlay_start_0:
0x88: {  	s2 =	sld [smem:$0x3FD9]  }
0x89: {  	s3 =	sld [smem:$0x3FFE];
	_ =	sdelay $0x1  }
0x8a: {  	s1 =	srdreg.scid  }
0x8b: {  	s0 =	sand.u32 $0x1, s1  }
0x8c: {  	s16 =	sshll.u32 s0, $0xA;
	s2 =	sadd.s32 s3, s2  }
0x8d: {  	s2 =	sadd.s32 s2, s16  }
0x8e: {  	[smem:$0x3F89] =	sst s2  }
0x8f: {  	_ = 	snop  }
0x90: {  	(tm) =	ssettm $0x1  }
0x91: {  	s17 =	sld [smem:$0x3FFB];
	_ =	sdelay $0x3  }
0x92: {  	_ =	strace s17  }
0x93: {  	s2 =	sld [smem:$0x3FFC];
	_ =	sdelay $0x3  }
0x94: {  	_ =	strace s2  }
0x95: {  	s2 =	sld [smem:$0x3FFD];
	_ =	sdelay $0x3  }
0x96: {  	_ =	strace s2  }
0x97: {  	_ =	strace $0x8FFFFFFF  }
0x98: {  	s18 =	sld [smem:$0x3FDB];
	_ =	sdelay $0x1  }
0x99: {  	s19 =	simm.s32 $_scs_section_size  }
0x9a: {  	s4 =	simm.s32 $_size__tile_overlayer_lowered;
	s5 =	simm.s32 $_tile_overlayer_lowered  }
0x9b: {  	s22 =	simm.s32 $0x1BFF;
	s21 =	sshll.u32 s5, $0x1;
	s2 =	sadd.s32 s19, s18  }
0x9c: {  	s6 =	simm.s32 $0x0;
	s20 =	sshll.u32 s4, $0x1;
	s4 =	sadd.s32 s21, s2  }
0x9d: {  	[timem:s6], [sflag:s22] =	dma.local [hbm:s4], s20  }
0x9e: {  	_ =	swait.ge [sflag:s22], s20  }
0x9f: {  	s3 =	ssub.s32 $0x0, s20;
	[sflag:s22] =	ssyncset.done $0x0  }
0xa0: {  	[sflag:s22] =	ssyncadd.s32 s3;
	_ =	sdelay $0x1  }
0xa1: {  	s23 =	simm.s32 $0x1B8B  }
0xa2: {  	_ =	swait.ge [sflag:s23], $0x1  }
0xa3: {  	[sflag:s23] =	ssyncset.done $0x0  }
0xa4: {  	s25 =	simm.s32 $0x1B8E;
	s24 =	sld [smem:$0x3FFE];
	[sflag:s23] =	ssyncadd.s32 $0xFFFFFFFF  }
0xa5: {  	s26 =	simm.s32 $execute0_lowered;
	[smem:$0x3FD2] =	sst s25  }
0xa6: {  	s4 =	sshll.u32 s26, $0x1;
	_ =	strace $0x80000046;
	[dreg:$0x1] =	wrdreg $0xFFFFFFFF  }
0xa7: {  	s28 =	simm.s32 $_size_execute0_lowered;
	s2 =	sadd.s32 s2, s4;
	[dreg:$0x0] =	wrdreg $0x0  }
0xa8: {  	s4 =	sshll.u32 s28, $0x1;
	[dreg:$0x2] =	wrdreg s2  }
0xa9: {  	[dreg:$0x3] =	wrdreg s4  }
0xaa: {  	[dreg:$0x4] =	wrdreg $0xC0  }
0xab: {  	_ =	task [dreg:s6], $0x5FFFF  }
0xac: {  	[dreg:$0x1] =	wrdreg $0xFFFFFFFF  }
0xad: {  	[dreg:$0x0] =	wrdreg $0x60  }
0xae: {  	[dreg:$0x2] =	wrdreg s24  }
0xaf: {  	[dreg:$0x3] =	wrdreg $0x9  }
0xb0: {  	_ =	task.clear_ibuf [dreg:s6], $0x4FFFF;
	_ =	strace $0x90000046  }
0xb1: {  	s29 =	simm.s32 $0x9;
	_ =	strace $0x80000048  }
0xb2: {  	_ =	swait.ge [sflag:s29], $0x1  }
0xb3: {  	[sflag:s29] =	ssyncadd.s32 $0xFFFFFFFF  }
0xb4: {  	_ =	strace $0x90000048  }
0xb5: {  	_ =	sfence  }
0xb6: {  	s30 =	sld [smem:$0x0];
	_ =	sdelay $0x2  }
0xb7: {  	s31 =	sshll.u32 s1, $0xD;
	s1 =	sshrl.u32 s1, $0x2  }
0xb8: {  	s3 =	sand.u32 $0x4000, s31;
	s1 =	sadd.s32 s1, s30  }
0xb9: {  	s0 =	sor.u32 s3, s0;
	s1 =	sshll.u32 s1, $0x11  }
0xba: {  	s0 =	sor.u32 s1, s0  }
0xbb: {  	s0 =	sadd.s32 $0x8F2B, s0  }
0xbc: {  	[sflag:s0] =	ssyncadd.remote.s32 $0x1  }
0xbd: {  	_ =	sfence.sel $0xFFFF  }
0xbe: {  	[dreg:$0x0] =	wrdreg $0xFFFFFFFF;
	(pc) =	sbr.abs _section_cstart, $3  }
0xbf: {  	[dreg:$0x1] =	wrdreg $0xFFFFFFFF  }
0xc0: {  	_ =	task.clear_ibuf [dreg:s6], $0x2FFFF;
	_ =	strace $0x9FFFFFFF  }
0xc1: {  	(tm) =	ssettm $0x7FFFFFFF  }
tec
execute0_lowered:
.L_overlay_start_1:
0x0: {  	(tag) =	ssettag $0x1  }
0x1: {  	s7 =	rddreg [dreg:$0x0]  }
0x2: {  	s0 =	rddreg [dreg:$0x1];
	_ =	strace $0x80000047  }
0x3: {  	s1 =	srdreg.scid;
	s4 =	simm.s32 $0x1;
	s9 =	simm.s32 $0x3  }
0x4: {  	s12 =	simm.s32 $0x0;
	s10 =	simm.s32 $0x0;
	s5 =	sshll.u32 s1, $0x4  }
.Ltmp0:
0x5: {  	s1 =	stileid.u32;
	s5 =	sand.u32 $0x10, s5;
	(pc) =	sbr.rel .LBB2_1-.Ltmp0, $4  }
0x6: {  	s2 =	sadd.s32 $0x200, s7;
	s3 =	sadd.s32 $0x20200, s7;
	s6 =	sor.u32 s1, s5  }
0x7: {  	[sflag:s4] =	ssyncpa.u1 $0x0;
	s5 =	simm.s32 $0x2;
	s6 =	sshll.u32 s6, $0x6  }
0x8: {  	s7 =	sadd.s32 $0x20400, s7;
	[sflag:s5] =	ssyncpa.u1 $0x0;
	s8 =	sadd.s32 $0x40, s6  }
0x9: {  	vm0 =	vmmov $0xff;
	vm1 =	vcmask $0x3F20;
	[sflag:s9] =	ssyncpa.u1 $0x0;
	s9 =	simm.s32 $0x40;
	s11 =	smov.u32 s6  }
.LBB2_9:
0xa: {  	p0 =	seq.s32 s10, $0x2  }
.Ltmp1:
0xb: {  	_ = 	snop;
	(pc) =	sbr.rel @p0 .LBB2_11-.Ltmp1, $1  }
0xc: {  	_ =	sdelay $0x3  }
.LBB2_10:
0xd: {  	s12 =	sadd.s32 $0x40, s11  }
0xe: {  	s13 =	smov.u32 s6;
	p0 =	slt.s32 s12, s8  }
0xf: {  	s13 =	smov.u32 @p0 s12  }
0x10: {  	s10 =	sadd.s32 $0x1, s10;
	s12 =	smov.u32 s11;
	s11 =	smov.u32 s13  }
.LBB2_1:
0x11: {  	p0 =	sne.s32 s10, $0x0  }
.Ltmp2:
0x12: {  	_ = 	snop;
	(pc) =	sbr.rel @!p0 .LBB2_2-.Ltmp2, $1  }
0x13: {  	_ =	sdelay $0x3  }
0x14: {  	s13 =	sand.u32 $0x1, s10  }
0x15: {  	p0 =	seq.s32 s13, $0x0  }
.Ltmp3:
0x16: {  	_ = 	snop;
	(pc) =	sbr.rel @p0 .LBB2_9-.Ltmp3, $1  }
0x17: {  	_ =	sdelay $0x3  }
0x18: {  	_ =	swait.ge [sflag:s5], $0x40  }
0x19: {  	[sflag:s5] =	ssyncset.done $0x0  }
0x1a: {  	s13 =	simm.s32 $0x0;
	[sflag:s5] =	ssyncadd.s32 $0xFFFFFFC0  }
0x1b: {  	v0 =	vld.msk [tilespmem:s13+$0x40 ss:$0x1], $0xffff;
	_ =	sdelay $0x4  }
0x1c: {  	v1 =	vshll.u32 v0, $0x5  }
0x1d: {  	vm2 =	veq.s32 v0, $0x80000000;
	v0 =	vshll.u32 v0, $0x12;
	v1 =	vand.u32 $0x3FF80, v1  }
0x1e: {  	v0 =	vand.u32 $0xC0000, v0;
	v1 =	vsel vm2, $0xFFFFFF80, v1  }
0x1f: {  	v0 =	vsel vm2, $0xFFFC0000, v0;
	v2 =	vand.u32 $0xFFFFFC00, v1  }
0x20: {  	v1 =	vand.u32 $0x380, v1;
	v0 =	vadd.s32 v0, v2  }
0x21: {  	v0 =	vor.u32 v1, v0  }
0x22: {  	v0 =	vshrl.u32 v0, $0x3;
	_ =	sdelay $0x3  }
0x23: {  	s13 =	simm.s32 $0x2080  }
0x24: {  	[tilespmem:s13], [sflag:$0x1] =	stream.indirect_vreg.gather [hbm:s2], $0x80, v0, vm0, $0x38;
	[tilespmem:$0x4080] =	vst v63  }
0x25: {  	s14 =	simm.s32 $0x2480;
	s31 =	simm.s32 $0x10  }
0x26: {  	[tilespmem:s14], [sflag:$0x1] =	stream.indirect_vreg.gather [hbm:s2], $0x80, v0, vm1, $0x38;
	[tilespmem:$0x4080] =	vst v63  }
0x27: {  	s14 =	simm.s32 $0x80;
	v0 =	vld.msk [tilespmem:s31+$0x40 ss:$0x1], $0xffff  }
.LBB2_5:
0x28: {  	p0 =	sne.s32 s14, $0xC0;
	_ =	sdelay $0x4  }
0x29: {  	v1 =	vshll.u32 v0, $0x5  }
0x2a: {  	vm2 =	veq.s32 v0, $0x80000000;
	v0 =	vshll.u32 v0, $0x12;
	v1 =	vand.u32 $0x3FF80, v1  }
0x2b: {  	v0 =	vand.u32 $0xC0000, v0;
	v1 =	vsel vm2, $0xFFFFFF80, v1  }
0x2c: {  	v0 =	vsel vm2, $0xFFFC0000, v0;
	v2 =	vand.u32 $0xFFFFFC00, v1  }
0x2d: {  	v1 =	vand.u32 $0x380, v1;
	v0 =	vadd.s32 v0, v2  }
0x2e: {  	v0 =	vor.u32 v1, v0  }
0x2f: {  	v0 =	vshrl.u32 v0, $0x3;
	_ =	sdelay $0x3  }
.Ltmp4:
0x30: {  	s13 =	sadd.s32 $0x800, s13;
	(pc) =	sbr.rel @p0 .LBB2_5-.Ltmp4, $4  }
0x31: {  	[tilespmem:s13], [sflag:$0x1] =	stream.indirect_vreg.gather [hbm:s2], $0x80, v0, vm0, $0x38;
	[tilespmem:$0x4080] =	vst v63  }
0x32: {  	s15 =	sshra.s32 s14, $0x2;
	s16 =	sadd.s32 $0x400, s13  }
0x33: {  	[tilespmem:s16], [sflag:$0x1] =	stream.indirect_vreg.gather [hbm:s2], $0x80, v0, vm1, $0x38;
	[tilespmem:$0x4080] =	vst v63  }
0x34: {  	s14 =	sadd.s32 $0x40, s14;
	v0 =	vld.msk [tilespmem:s15+$0x40 ss:$0x1], $0xffff  }
0x35: {  	_ =	sdelay $0x3  }
0x36: {  	v1 =	vshll.u32 v0, $0x5  }
0x37: {  	vm2 =	veq.s32 v0, $0x80000000;
	v63 =	vshll.u32 v0, $0x12;
	v1 =	vand.u32 $0x3FF80, v1  }
0x38: {  	v0 =	vand.u32 $0xC0000, v63;
	v1 =	vsel vm2, $0xFFFFFF80, v1  }
0x39: {  	v0 =	vsel vm2, $0xFFFC0000, v0;
	v2 =	vand.u32 $0xFFFFFC00, v1  }
0x3a: {  	v1 =	vand.u32 $0x380, v1;
	v0 =	vadd.s32 v0, v2  }
0x3b: {  	v0 =	vor.u32 v1, v0  }
0x3c: {  	v0 =	vshrl.u32 v0, $0x3;
	_ =	sdelay $0x3  }
0x3d: {  	s13 =	sadd.s32 $0x800, s13  }
0x3e: {  	[tilespmem:s13], [sflag:$0x1] =	stream.indirect_vreg.gather [hbm:s2], $0x80, v0, vm0, $0x38;
	[tilespmem:$0x4080] =	vst v63  }
0x3f: {  	s13 =	sadd.s32 $0x400, s13  }
0x40: {  	[tilespmem:s13], [sflag:$0x1] =	stream.indirect_vreg.gather [hbm:s2], $0x80, v0, vm1, $0x38;
	[tilespmem:$0x4080] =	vst v63  }
0x41: {  	s12 =	sshll.u32 s12, $0x4;
	s14 =	simm.s32 $0x80;
	_ =	swait.ge [sflag:s4], $0x2000  }
0x42: {  	s15 =	simm.s32 $0x2480;
	s12 =	sadd.s32 s12, s7;
	[sflag:s4] =	ssyncset.done $0x0  }
0x43: {  	s16 =	sadd.s32 $0x0, s12;
	s13 =	simm.s32 $0x2080;
	[sflag:s4] =	ssyncadd.s32 $0xFFFFE000  }
.LBB2_7:
0x44: {  	[hbm:s16] =	stream.linear.scatter [tilespmem:s13], [sflag:$0x3], $0x400, $0x38;
	[tilespmem:$0x4080] =	vst v63  }
0x45: {  	s16 =	smov.u32 s14;
	s13 =	smov.u32 s15;
	p0 =	sne.s32 s14, $0x380  }
.Ltmp5:
0x46: {  	s14 =	sadd.s32 $0x80, s14;
	(pc) =	sbr.rel @p0 .LBB2_7-.Ltmp5, $2  }
0x47: {  	_ =	sdelay $0x2  }
0x48: {  	s15 =	sadd.s32 $0x400, s15;
	s16 =	sadd.s32 s16, s12  }
.Ltmp6:
0x49: {  	(pc) =	sbr.rel .LBB2_9-.Ltmp6, $2  }
0x4a: {  	_ =	sdelay $0x2  }
0x4b: {  	[hbm:s16] =	stream.linear.scatter [tilespmem:s13], [sflag:$0x3], $0x400, $0x38;
	[tilespmem:$0x4080] =	vst v63  }
.LBB2_2:
.Ltmp7:
0x4c: {  	(pc) =	sbr.rel .LBB2_10-.Ltmp7, $4  }
0x4d: {  	_ = 	snop  }
0x4e: {  	s12 =	sshrl.u32 s11, $0x3  }
0x4f: {  	s13 =	sand.u32 $0x7, s11;
	s12 =	sadd.s32 s3, s12  }
0x50: {  	[tilespmem:s9], [sflag:$0x2] =	stream.linear.gather [hbm4b:s12+s13], $0x40, $0x38;
	[tilespmem:$0x4080] =	vst v63  }
.LBB2_11:
0x51: {  	s2 =	simm.s32 $0x3  }
0x52: {  	_ =	swait.ge [sflag:s2], $0x2000  }
0x53: {  	[sflag:s2] =	ssyncset.done $0x0  }
0x54: {  	[sflag:s2] =	ssyncadd.s32 $0xFFFFE000  }
0x55: {  	_ =	sfence.sel $0x180000  }
0x56: {  	s3 =	simm.s32 $0x2;
	[bflag:$0x0] =	sbarrier.arrive $0xFFFF  }
0x57: {  	[sflag:s3] =	ssyncpa.u1 $0x1  }
0x58: {  	s31 =	simm.s32 $0x1;
	[sflag:s2] =	ssyncpa.u1 $0x1  }
0x59: {  	[sflag:s31] =	ssyncpa.u1 $0x1  }
0x5a: {  	p0 =	sne.s32 s1, $0x0;
	_ =	strace $0x90000047  }
0x5b: {  	s0 =	sadd.s32 @!p0 $0x100000, s0;
	[bflag:$0x2] =	sbarrier.arrive $0xFFFF  }
0x5c: {  	[sflag:s0] =	ssyncadd.tile.s32 @!p0 $0x1;
	_ =	shalt  }
.Lfunc_end2:
_tile_overlayer_lowered:
.L_overlay_start_2:
0x5d: {  	(tag) =	ssettag $0x2  }
0x5e: {  	s0 =	rddreg [dreg:$0x0];
	s2 =	stileid.u32  }
0x5f: {  	s1 =	rddreg [dreg:$0x1];
	p0 =	sne.s32 s2, $0x0  }
0x60: {  	s3 =	rddreg [dreg:$0x2];
	[bflag:$0x3] =	sbarrier.arrive $0xFFFF;
	s2 =	simm.s32 @!p0 $0x1C01  }
0x61: {  	[timem:s3], [sflag:s2] =	dma.local @!p0 [hbm:s0], s1  }
0x62: {  	s0 =	simm.s32 @!p0 $0x1  }
0x63: {  	_ =	swait.ge @!p0 [sflag:s0], s1  }
0x64: {  	s1 =	ssub.s32 @!p0 $0x0, s1;
	[sflag:s0] =	ssyncset.done @!p0 $0x0  }
0x65: {  	[sflag:s0] =	ssyncadd.s32 @!p0 s1  }
0x66: {  	[bflag:$0x3] =	sbarrier.arrive $0xFFFF  }
0x67: {  	_ =	shalt  }

// kernel: sparse-core-data-format-call.1.cloned.1.call-start
scs
called_computation.1_lowered:
.L_overlay_start_0:
0x0: {  	s2 =	sld [smem:$0x3FD9]  }
0x1: {  	s3 =	sld [smem:$0x3FFE];
	_ =	sdelay $0x1  }
0x2: {  	s1 =	srdreg.scid  }
0x3: {  	s0 =	sand.u32 $0x1, s1  }
0x4: {  	s18 =	sshll.u32 s0, $0xA;
	s2 =	sadd.s32 s3, s2  }
0x5: {  	s2 =	sadd.s32 s2, s18  }
0x6: {  	[smem:$0x3F89] =	sst s2  }
0x7: {  	_ = 	snop  }
0x8: {  	(tm) =	ssettm $0x1  }
0x9: {  	s19 =	sld [smem:$0x3FFB];
	_ =	sdelay $0x3  }
0xa: {  	_ =	strace s19  }
0xb: {  	s2 =	sld [smem:$0x3FFC];
	_ =	sdelay $0x3  }
0xc: {  	_ =	strace s2  }
0xd: {  	s2 =	sld [smem:$0x3FFD];
	_ =	sdelay $0x3  }
0xe: {  	_ =	strace s2  }
0xf: {  	_ =	strace $0x8FFFFFFF  }
0x10: {  	s20 =	sld [smem:$0x3FDB];
	_ =	sdelay $0x1  }
0x11: {  	s21 =	simm.s32 $_scs_section_size  }
0x12: {  	s4 =	simm.s32 $_size__tile_overlayer_lowered;
	s5 =	simm.s32 $_tile_overlayer_lowered  }
0x13: {  	s6 =	simm.s32 $0x1BFF;
	s22 =	sshll.u32 s5, $0x1;
	s3 =	sadd.s32 s21, s20  }
0x14: {  	s23 =	simm.s32 $0x0;
	s4 =	sshll.u32 s4, $0x1;
	s5 =	sadd.s32 s22, s3  }
0x15: {  	[timem:s23], [sflag:s6] =	dma.local [hbm:s5], s4  }
0x16: {  	_ =	swait.ge [sflag:s6], s4  }
0x17: {  	s4 =	ssub.s32 $0x0, s4;
	[sflag:s6] =	ssyncset.done $0x0  }
0x18: {  	[sflag:s6] =	ssyncadd.s32 s4;
	_ =	sdelay $0x1  }
0x19: {  	s24 =	simm.s32 $0x1B8B  }
0x1a: {  	_ =	swait.ge [sflag:s24], $0x1  }
0x1b: {  	[sflag:s24] =	ssyncset.done $0x0  }
0x1c: {  	[sflag:s24] =	ssyncadd.s32 $0xFFFFFFFF  }
0x1d: {  	s4 =	sld [smem:$0x0]  }
0x1e: {  	s5 =	sand.u32 $0xFFFFFFFE, s1  }
0x1f: {  	p0 =	sne.s32 s1, s5  }
0x20: {  	s5 =	sshll.u32 @p0 s5, $0xE  }
0x21: {  	s5 =	sadd.s32 @p0 $0x11B8D, s5;
	s6 =	sshll.u32 @p0 s4, $0x11  }
0x22: {  	s5 =	sor.u32 @p0 s6, s5  }
0x23: {  	[sflag:s5] =	ssyncadd.remote.s32 @p0 $0x1;
	_ =	sdelay $0x1  }
0x24: {  	s5 =	simm.s32 @p0 $0x1B8D  }
0x25: {  	_ =	swait.eq @p0 [sflag:s5], $0x1  }
0x26: {  	[sflag:s5] =	ssyncadd.s32 @p0 $0xFFFFFFFF  }
0x27: {  	s6 =	sshll.u32 @!p0 s1, $0xE  }
0x28: {  	s6 =	sor.u32 @!p0 $0x4000, s6;
	s5 =	simm.s32 @!p0 $0x1B8D  }
0x29: {  	s4 =	sshll.u32 @!p0 s4, $0x11;
	s6 =	sadd.s32 @!p0 $0x11B8D, s6;
	_ =	swait.eq @!p0 [sflag:s5], $0x1  }
0x2a: {  	s4 =	sor.u32 @!p0 s4, s6;
	[sflag:s5] =	ssyncadd.s32 @!p0 $0xFFFFFFFF  }
0x2b: {  	s26 =	simm.s32 $0x1B8E;
	s25 =	sld [smem:$0x3FFE];
	[sflag:s4] =	ssyncadd.remote.s32 @!p0 $0x1  }
0x2c: {  	s27 =	simm.s32 $execute0_lowered;
	[smem:$0x3FD2] =	sst s26  }
0x2d: {  	s5 =	sshll.u32 s27, $0x1;
	_ =	strace $0x80000055;
	[dreg:$0x1] =	wrdreg $0xFFFFFFFF  }
0x2e: {  	s28 =	simm.s32 $_size_execute0_lowered;
	s3 =	sadd.s32 s3, s5;
	[dreg:$0x0] =	wrdreg $0x0  }
0x2f: {  	s5 =	sshll.u32 s28, $0x1;
	[dreg:$0x2] =	wrdreg s3  }
0x30: {  	[dreg:$0x3] =	wrdreg s5  }
0x31: {  	[dreg:$0x4] =	wrdreg $0xC0  }
0x32: {  	_ =	task [dreg:s23], $0x5FFFF  }
0x33: {  	[dreg:$0x1] =	wrdreg $0xFFFFFFFF  }
0x34: {  	[dreg:$0x0] =	wrdreg $0x60  }
0x35: {  	[dreg:$0x2] =	wrdreg s25  }
0x36: {  	[dreg:$0x3] =	wrdreg $0xA  }
0x37: {  	_ =	task.clear_ibuf [dreg:s23], $0x4FFFF;
	_ =	strace $0x90000055  }
0x38: {  	s29 =	simm.s32 $0xA;
	_ =	strace $0x80000057  }
0x39: {  	_ =	swait.ge [sflag:s29], $0x1  }
0x3a: {  	[sflag:s29] =	ssyncadd.s32 $0xFFFFFFFF  }
0x3b: {  	_ =	strace $0x90000057  }
0x3c: {  	_ =	sfence  }
0x3d: {  	s30 =	sld [smem:$0x0];
	_ =	sdelay $0x2  }
0x3e: {  	s31 =	sshll.u32 s1, $0xD;
	s1 =	sshrl.u32 s1, $0x2  }
0x3f: {  	s4 =	sand.u32 $0x4000, s31;
	s1 =	sadd.s32 s1, s30  }
0x40: {  	s0 =	sor.u32 s4, s0;
	s1 =	sshll.u32 s1, $0x11  }
0x41: {  	s0 =	sor.u32 s1, s0  }
0x42: {  	s0 =	sadd.s32 $0x8F2B, s0  }
0x43: {  	[sflag:s0] =	ssyncadd.remote.s32 $0x1  }
0x44: {  	_ =	sfence.sel $0xFFFF  }
0x45: {  	[dreg:$0x0] =	wrdreg $0xFFFFFFFF;
	(pc) =	sbr.abs _section_cstart, $3  }
0x46: {  	[dreg:$0x1] =	wrdreg $0xFFFFFFFF  }
0x47: {  	_ =	task.clear_ibuf [dreg:s23], $0x2FFFF;
	_ =	strace $0x9FFFFFFF  }
0x48: {  	(tm) =	ssettm $0x7FFFFFFF  }
0x49: {  	_ =	shalt  }
tec
execute0_lowered:
.L_overlay_start_1:
0x0: {  	(tag) =	ssettag $0x1  }
0x1: {  	s0 =	stileid.u32;
	s1 =	srdreg.scid  }
0x2: {  	s4 =	rddreg [dreg:$0x0];
	s5 =	simm.s32 $0x1;
	s8 =	simm.s32 $0x2  }
0x3: {  	s13 =	simm.s32 $0x0;
	s2 =	sshll.u32 s0, $0x5;
	s3 =	sshll.u32 s1, $0x9  }
0x4: {  	s14 =	simm.s32 $0x0;
	s12 =	simm.s32 $0x0;
	s2 =	sor.u32 s2, s3  }
0x5: {  	s1 =	rddreg [dreg:$0x1];
	_ =	strace $0x80000056;
	s2 =	sand.u32 $0x380, s2  }
0x6: {  	s3 =	sadd.s32 $0x245A00, s4;
	s4 =	sadd.s32 $0x45A00, s4;
	s6 =	ssub.s32 $0x4000, s2  }
.Ltmp0:
0x7: {  	[sflag:s5] =	ssyncpa.u1 $0x0;
	s7 =	sand.u32 $0x380, s6;
	(pc) =	sbr.rel .LBB1_1-.Ltmp0, $4  }
0x8: {  	[sflag:s8] =	ssyncpa.u1 $0x0;
	p0 =	sne.s32 s7, $0x0;
	s7 =	simm.s32 $0x1  }
0x9: {  	s9 =	sshrl.u32 s6, $0xA;
	s6 =	sand.u32 $0x3, s0;
	s7 =	simm.s32 @!p0 $0x0  }
0xa: {  	s10 =	smov.u32 s2;
	s11 =	smov.u32 s6;
	s7 =	sadd.s32 s7, s9  }
0xb: {  	p0 =	por $0x0, $0x0;
	s9 =	simm.s32 $0x20000;
	s8 =	sadd.s32 $0x1, s7  }
.LBB1_7:
0xc: {  	s15 =	sadd.s32 $0x400, s10  }
0xd: {  	s13 =	sadd.s32 $0x4, s11;
	s17 =	smov.u32 s11;
	p2 =	sgt.s32 s15, $0x3FFF  }
0xe: {  	s17 =	smov.u32 @p2 s13  }
0xf: {  	s15 =	smov.u32 @p2 s2;
	p2 =	sgt.s32 s17, $0x3  }
0x10: {  	s17 =	smov.u32 @p2 s6;
	p2 =	sne.s32 s12, s8  }
.Ltmp1:
0x11: {  	p1 =	slt.u32 s12, $0x2;
	(pc) =	sbr.rel @!p2 .LBB1_8-.Ltmp1, $4  }
0x12: {  	s16 =	simm.s32 @!p1 $0x2  }
0x13: {  	s14 =	smov.u32 s11;
	p0 =	por !p0, !p0;
	_ =	swait.ge @!p1 [sflag:s16], $0x4000  }
0x14: {  	s13 =	smov.u32 s10;
	[sflag:s16] =	ssyncset.done @!p1 $0x0;
	s10 =	smov.u32 s15  }
0x15: {  	s12 =	sadd.s32 $0x1, s12;
	[sflag:s16] =	ssyncadd.s32 @!p1 $0xFFFFC000;
	s11 =	smov.u32 s17  }
.LBB1_1:
0x16: {  	p1 =	sge.u32 s12, s7;
	s31 =	sadd.s32 $0xFFFFFFFF, s12  }
0x17: {  	s15 =	sxor.u32 @!p1 $0xFFFFFFFF, s12;
	s16 =	sshll.u32 @!p1 s11, $0x14;
	s17 =	sshll.u32 @!p1 s10, $0x6  }
0x18: {  	s18 =	simm.s32 @!p1 $0x80;
	s15 =	sshll.u32 @!p1 s15, $0xE;
	s16 =	sadd.s32 @!p1 s3, s16  }
0x19: {  	s15 =	sand.u32 @!p1 $0x4000, s15;
	s16 =	sadd.s32 @!p1 s17, s16;
	s17 =	simm.s32 @!p1 $0x20  }
0x1a: {  	[tilespmem:s15], [sflag:$0x1] =	stream.strided.gather @!p1 [hbm4b:s16+s17], $0x4000, s18, s17, $0x38;
	[tilespmem:$0x10100] =	vst v63  }
0x1b: {  	p1 =	sge.u32 s31, s7  }
.Ltmp2:
0x1c: {  	_ = 	snop;
	(pc) =	sbr.rel @p1 .LBB1_7-.Ltmp2, $1  }
0x1d: {  	_ =	sdelay $0x3  }
0x1e: {  	s15 =	simm.s32 $0x1;
	s17 =	sand.u32 $0x1, s12  }
0x1f: {  	s15 =	simm.s32 @!p0 $0x0;
	s18 =	smul.u32 $0x10200, s17  }
0x20: {  	_ =	swait.ge [sflag:s5], $0x4000;
	s16 =	smul.u32 $0x10200, s15  }
0x21: {  	[sflag:s5] =	ssyncset.done $0x0;
	s17 =	sshll.u32 s15, $0xE  }
0x22: {  	[sflag:s5] =	ssyncadd.s32 $0xFFFFC000;
	s31 =	sshrl.u32 s18, $0x2;
	s16 =	sshrl.u32 s16, $0x2  }
0x23: {  	s18 =	simm.s32 $0x0;
	s15 =	sor.u32 $0x8000, s31;
	s16 =	sadd.s32 $0x8810, s16  }
.LBB1_3:
0x24: {  	v0 =	vmov s17;
	_ =	sdelay $0x3  }
0x25: {  	s19 =	simm.s32 $0x0  }
0x26: {  	v1 =	vld.idx.msk [tilespmem:v0+s19+$0x10 ss:$0x1], $0xffff  }
0x27: {  	v2 =	vld.idx.msk [tilespmem:v0+s19+$0x0 ss:$0x1], $0xffff;
	_ =	sdelay $0x1  }
0x28: {  	s20 =	simm.s32 $0x80;
	s19 =	smov.u32 s16  }
.LBB1_4:
0x29: {  	s21 =	sshra.s32 s20, $0x2;
	p1 =	sne.s32 s20, $0x180;
	s20 =	sadd.s32 $0x80, s20  }
.Ltmp3:
0x2a: {  	[tilespmem:s19+$0x0 ss:$0x81] =	vst.msk $0xffff, v1;
	v1 =	vld.idx.msk [tilespmem:v0+s21+$0x10 ss:$0x1], $0xffff;
	(pc) =	sbr.rel @p1 .LBB1_4-.Ltmp3, $2  }
0x2b: {  	[tilespmem:s19+$0xFFFFF7F0 ss:$0x81] =	vst.msk $0xffff, v2;
	v2 =	vld.idx.msk [tilespmem:v0+s21+$0x0 ss:$0x1], $0xffff;
	_ =	sdelay $0x2  }
0x2c: {  	s19 =	sadd.s32 $0x1020, s19  }
0x2d: {  	s18 =	sadd.s32 $0x1, s18  }
0x2e: {  	p1 =	sne.s32 s18, $0x80  }
.Ltmp4:
0x2f: {  	_ = 	snop;
	(pc) =	sbr.rel @p1 .LBB1_3-.Ltmp4, $3  }
0x30: {  	_ =	sdelay $0x1  }
0x31: {  	[tilespmem:s19+$0x0 ss:$0x81] =	vst.msk $0xffff, v1  }
0x32: {  	s16 =	sadd.s32 $0x1, s16;
	s17 =	sadd.s32 $0x80, s17;
	[tilespmem:s19+$0xFFFFF7F0 ss:$0x81] =	vst.msk $0xffff, v2  }
0x33: {  	s16 =	sshll.u32 s13, $0x3;
	s17 =	sand.u32 $0x78, s13;
	s14 =	sshll.u32 s14, $0x12  }
.Ltmp5:
0x34: {  	s30 =	sand.u32 $0xF800, s13;
	s16 =	sand.u32 $0x3C00, s16;
	(pc) =	sbr.rel .LBB1_7-.Ltmp5, $4  }
0x35: {  	s31 =	sand.u32 $0x7, s13;
	s14 =	sadd.s32 s4, s14;
	s16 =	sor.u32 s17, s16  }
0x36: {  	s13 =	sshll.u32 s31, $0x12;
	s14 =	sadd.s32 s30, s14;
	s16 =	sshrl.u32 s16, $0x3  }
0x37: {  	s13 =	sor.u32 $0x400, s13;
	s14 =	sadd.s32 s16, s14  }
0x38: {  	[hbm4b:s14+s13] =	stream.strided.scatter [tilespmem:s15], [sflag:$0x2], $0x4000, s9, s13, $0x20;
	[tilespmem:$0x10100] =	vst v63  }
.LBB1_8:
0x39: {  	_ =	sfence.sel $0x180000  }
0x3a: {  	s2 =	simm.s32 $0x1;
	[bflag:$0x0] =	sbarrier.arrive $0xFFFF  }
0x3b: {  	s31 =	simm.s32 $0x2;
	[sflag:s2] =	ssyncpa.u1 $0x1  }
0x3c: {  	[sflag:s31] =	ssyncpa.u1 $0x1  }
0x3d: {  	p0 =	sne.s32 s0, $0x0;
	_ =	strace $0x90000056  }
0x3e: {  	s0 =	sadd.s32 @!p0 $0x100000, s1;
	[bflag:$0x2] =	sbarrier.arrive $0xFFFF  }
0x3f: {  	[sflag:s0] =	ssyncadd.tile.s32 @!p0 $0x1;
	_ =	shalt  }
.Lfunc_end1:
_tile_overlayer_lowered:
.L_overlay_start_2:
0x40: {  	(tag) =	ssettag $0x2  }
0x41: {  	s0 =	rddreg [dreg:$0x0];
	s2 =	stileid.u32  }
0x42: {  	s1 =	rddreg [dreg:$0x1];
	p0 =	sne.s32 s2, $0x0  }
0x43: {  	s3 =	rddreg [dreg:$0x2];
	[bflag:$0x3] =	sbarrier.arrive $0xFFFF;
	s2 =	simm.s32 @!p0 $0x1C01  }
0x44: {  	[timem:s3], [sflag:s2] =	dma.local @!p0 [hbm:s0], s1  }
0x45: {  	s0 =	simm.s32 @!p0 $0x1  }
0x46: {  	_ =	swait.ge @!p0 [sflag:s0], s1  }
0x47: {  	s1 =	ssub.s32 @!p0 $0x0, s1;
	[sflag:s0] =	ssyncset.done @!p0 $0x0  }
0x48: {  	[sflag:s0] =	ssyncadd.s32 @!p0 s1  }
0x49: {  	[bflag:$0x3] =	sbarrier.arrive $0xFFFF  }
0x4a: {  	_ =	shalt  }

// kernel: sparse-core-data-format-call.2.cloned.1.call-start
scs
called_computation.2_lowered:
.L_overlay_start_0:
0x0: {  	s2 =	sld [smem:$0x3FD9]  }
0x1: {  	s3 =	sld [smem:$0x3FFE];
	_ =	sdelay $0x1  }
0x2: {  	s1 =	srdreg.scid  }
0x3: {  	s0 =	sand.u32 $0x1, s1  }
0x4: {  	s18 =	sshll.u32 s0, $0xA;
	s2 =	sadd.s32 s3, s2  }
0x5: {  	s2 =	sadd.s32 s2, s18  }
0x6: {  	[smem:$0x3F89] =	sst s2  }
0x7: {  	_ = 	snop  }
0x8: {  	(tm) =	ssettm $0x1  }
0x9: {  	s19 =	sld [smem:$0x3FFB];
	_ =	sdelay $0x3  }
0xa: {  	_ =	strace s19  }
0xb: {  	s2 =	sld [smem:$0x3FFC];
	_ =	sdelay $0x3  }
0xc: {  	_ =	strace s2  }
0xd: {  	s2 =	sld [smem:$0x3FFD];
	_ =	sdelay $0x3  }
0xe: {  	_ =	strace s2  }
0xf: {  	_ =	strace $0x8FFFFFFF  }
0x10: {  	s20 =	sld [smem:$0x3FDB];
	_ =	sdelay $0x1  }
0x11: {  	s21 =	simm.s32 $_scs_section_size  }
0x12: {  	s4 =	simm.s32 $_size__tile_overlayer_lowered;
	s5 =	simm.s32 $_tile_overlayer_lowered  }
0x13: {  	s6 =	simm.s32 $0x1BFF;
	s22 =	sshll.u32 s5, $0x1;
	s3 =	sadd.s32 s21, s20  }
0x14: {  	s23 =	simm.s32 $0x0;
	s4 =	sshll.u32 s4, $0x1;
	s5 =	sadd.s32 s22, s3  }
0x15: {  	[timem:s23], [sflag:s6] =	dma.local [hbm:s5], s4  }
0x16: {  	_ =	swait.ge [sflag:s6], s4  }
0x17: {  	s4 =	ssub.s32 $0x0, s4;
	[sflag:s6] =	ssyncset.done $0x0  }
0x18: {  	[sflag:s6] =	ssyncadd.s32 s4;
	_ =	sdelay $0x1  }
0x19: {  	s24 =	simm.s32 $0x1B8B  }
0x1a: {  	_ =	swait.ge [sflag:s24], $0x1  }
0x1b: {  	[sflag:s24] =	ssyncset.done $0x0  }
0x1c: {  	[sflag:s24] =	ssyncadd.s32 $0xFFFFFFFF  }
0x1d: {  	s4 =	sld [smem:$0x0]  }
0x1e: {  	s5 =	sand.u32 $0xFFFFFFFE, s1  }
0x1f: {  	p0 =	sne.s32 s1, s5  }
0x20: {  	s5 =	sshll.u32 @p0 s5, $0xE  }
0x21: {  	s5 =	sadd.s32 @p0 $0x11B8D, s5;
	s6 =	sshll.u32 @p0 s4, $0x11  }
0x22: {  	s5 =	sor.u32 @p0 s6, s5  }
0x23: {  	[sflag:s5] =	ssyncadd.remote.s32 @p0 $0x1;
	_ =	sdelay $0x1  }
0x24: {  	s5 =	simm.s32 @p0 $0x1B8D  }
0x25: {  	_ =	swait.eq @p0 [sflag:s5], $0x1  }
0x26: {  	[sflag:s5] =	ssyncadd.s32 @p0 $0xFFFFFFFF  }
0x27: {  	s6 =	sshll.u32 @!p0 s1, $0xE  }
0x28: {  	s6 =	sor.u32 @!p0 $0x4000, s6;
	s5 =	simm.s32 @!p0 $0x1B8D  }
0x29: {  	s4 =	sshll.u32 @!p0 s4, $0x11;
	s6 =	sadd.s32 @!p0 $0x11B8D, s6;
	_ =	swait.eq @!p0 [sflag:s5], $0x1  }
0x2a: {  	s4 =	sor.u32 @!p0 s4, s6;
	[sflag:s5] =	ssyncadd.s32 @!p0 $0xFFFFFFFF  }
0x2b: {  	s26 =	simm.s32 $0x1B8E;
	s25 =	sld [smem:$0x3FFE];
	[sflag:s4] =	ssyncadd.remote.s32 @!p0 $0x1  }
0x2c: {  	s27 =	simm.s32 $execute0_lowered;
	[smem:$0x3FD2] =	sst s26  }
0x2d: {  	s5 =	sshll.u32 s27, $0x1;
	_ =	strace $0x8000004F;
	[dreg:$0x1] =	wrdreg $0xFFFFFFFF  }
0x2e: {  	s28 =	simm.s32 $_size_execute0_lowered;
	s3 =	sadd.s32 s3, s5;
	[dreg:$0x0] =	wrdreg $0x0  }
0x2f: {  	s5 =	sshll.u32 s28, $0x1;
	[dreg:$0x2] =	wrdreg s3  }
0x30: {  	[dreg:$0x3] =	wrdreg s5  }
0x31: {  	[dreg:$0x4] =	wrdreg $0xC0  }
0x32: {  	_ =	task [dreg:s23], $0x5FFFF  }
0x33: {  	[dreg:$0x1] =	wrdreg $0xFFFFFFFF  }
0x34: {  	[dreg:$0x0] =	wrdreg $0x60  }
0x35: {  	[dreg:$0x2] =	wrdreg s25  }
0x36: {  	[dreg:$0x3] =	wrdreg $0xA  }
0x37: {  	_ =	task.clear_ibuf [dreg:s23], $0x4FFFF;
	_ =	strace $0x9000004F  }
0x38: {  	s29 =	simm.s32 $0xA;
	_ =	strace $0x80000051  }
0x39: {  	_ =	swait.ge [sflag:s29], $0x1  }
0x3a: {  	[sflag:s29] =	ssyncadd.s32 $0xFFFFFFFF  }
0x3b: {  	_ =	strace $0x90000051  }
0x3c: {  	_ =	sfence  }
0x3d: {  	s30 =	sld [smem:$0x0];
	_ =	sdelay $0x2  }
0x3e: {  	s31 =	sshll.u32 s1, $0xD;
	s1 =	sshrl.u32 s1, $0x2  }
0x3f: {  	s4 =	sand.u32 $0x4000, s31;
	s1 =	sadd.s32 s1, s30  }
0x40: {  	s0 =	sor.u32 s4, s0;
	s1 =	sshll.u32 s1, $0x11  }
0x41: {  	s0 =	sor.u32 s1, s0  }
0x42: {  	s0 =	sadd.s32 $0x8F2B, s0  }
0x43: {  	[sflag:s0] =	ssyncadd.remote.s32 $0x1  }
0x44: {  	_ =	sfence.sel $0xFFFF  }
0x45: {  	[dreg:$0x0] =	wrdreg $0xFFFFFFFF;
	(pc) =	sbr.abs _section_cstart, $3  }
0x46: {  	[dreg:$0x1] =	wrdreg $0xFFFFFFFF  }
0x47: {  	_ =	task.clear_ibuf [dreg:s23], $0x2FFFF;
	_ =	strace $0x9FFFFFFF  }
0x48: {  	(tm) =	ssettm $0x7FFFFFFF  }
0x49: {  	_ =	shalt  }
tec
execute0_lowered:
.L_overlay_start_1:
0x0: {  	(tag) =	ssettag $0x1  }
0x1: {  	s0 =	stileid.u32;
	s1 =	srdreg.scid  }
0x2: {  	s4 =	rddreg [dreg:$0x0];
	s5 =	simm.s32 $0x1;
	s8 =	simm.s32 $0x2  }
0x3: {  	s13 =	simm.s32 $0x0;
	s2 =	sshll.u32 s0, $0x5;
	s3 =	sshll.u32 s1, $0x9  }
0x4: {  	s1 =	rddreg [dreg:$0x1];
	_ =	strace $0x80000050;
	s2 =	sor.u32 s2, s3  }
0x5: {  	s14 =	simm.s32 $0x0;
	s3 =	sadd.s32 $0x348C00, s4;
	s2 =	sand.u32 $0x380, s2  }
0x6: {  	s12 =	simm.s32 $0x0;
	s4 =	sadd.s32 $0x748C00, s4;
	s6 =	ssub.s32 $0x4000, s2  }
.Ltmp0:
0x7: {  	[sflag:s5] =	ssyncpa.u1 $0x0;
	s7 =	sand.u32 $0x380, s6;
	(pc) =	sbr.rel .LBB1_1-.Ltmp0, $4  }
0x8: {  	[sflag:s8] =	ssyncpa.u1 $0x0;
	p0 =	sne.s32 s7, $0x0;
	s7 =	simm.s32 $0x1  }
0x9: {  	s9 =	sshrl.u32 s6, $0xA;
	s6 =	sand.u32 $0x3, s0;
	s7 =	simm.s32 @!p0 $0x0  }
0xa: {  	s10 =	smov.u32 s2;
	s11 =	smov.u32 s6;
	s7 =	sadd.s32 s7, s9  }
0xb: {  	p0 =	por $0x0, $0x0;
	s9 =	simm.s32 $0x20000;
	s8 =	sadd.s32 $0x1, s7  }
.LBB1_7:
0xc: {  	s15 =	sadd.s32 $0x400, s10  }
0xd: {  	s13 =	sadd.s32 $0x4, s11;
	s17 =	smov.u32 s11;
	p2 =	sgt.s32 s15, $0x3FFF  }
0xe: {  	s17 =	smov.u32 @p2 s13  }
0xf: {  	s15 =	smov.u32 @p2 s2;
	p2 =	sgt.s32 s17, $0x3  }
0x10: {  	s17 =	smov.u32 @p2 s6;
	p2 =	sne.s32 s12, s8  }
.Ltmp1:
0x11: {  	p1 =	slt.u32 s12, $0x2;
	(pc) =	sbr.rel @!p2 .LBB1_8-.Ltmp1, $4  }
0x12: {  	s16 =	simm.s32 @!p1 $0x2  }
0x13: {  	s14 =	smov.u32 s11;
	p0 =	por !p0, !p0;
	_ =	swait.ge @!p1 [sflag:s16], $0x4000  }
0x14: {  	s13 =	smov.u32 s10;
	[sflag:s16] =	ssyncset.done @!p1 $0x0;
	s10 =	smov.u32 s15  }
0x15: {  	s12 =	sadd.s32 $0x1, s12;
	[sflag:s16] =	ssyncadd.s32 @!p1 $0xFFFFC000;
	s11 =	smov.u32 s17  }
.LBB1_1:
0x16: {  	p1 =	sge.u32 s12, s7;
	s31 =	sadd.s32 $0xFFFFFFFF, s12  }
0x17: {  	s15 =	sxor.u32 @!p1 $0xFFFFFFFF, s12;
	s16 =	sshll.u32 @!p1 s11, $0x14;
	s17 =	sshll.u32 @!p1 s10, $0x6  }
0x18: {  	s18 =	simm.s32 @!p1 $0x80;
	s15 =	sshll.u32 @!p1 s15, $0xE;
	s16 =	sadd.s32 @!p1 s3, s16  }
0x19: {  	s15 =	sand.u32 @!p1 $0x4000, s15;
	s16 =	sadd.s32 @!p1 s17, s16;
	s17 =	simm.s32 @!p1 $0x20  }
0x1a: {  	[tilespmem:s15], [sflag:$0x1] =	stream.strided.gather @!p1 [hbm4b:s16+s17], $0x4000, s18, s17, $0x38;
	[tilespmem:$0x10100] =	vst v63  }
0x1b: {  	p1 =	sge.u32 s31, s7  }
.Ltmp2:
0x1c: {  	_ = 	snop;
	(pc) =	sbr.rel @p1 .LBB1_7-.Ltmp2, $1  }
0x1d: {  	_ =	sdelay $0x3  }
0x1e: {  	s15 =	simm.s32 $0x1;
	s17 =	sand.u32 $0x1, s12  }
0x1f: {  	s15 =	simm.s32 @!p0 $0x0;
	s18 =	smul.u32 $0x10200, s17  }
0x20: {  	_ =	swait.ge [sflag:s5], $0x4000;
	s16 =	smul.u32 $0x10200, s15  }
0x21: {  	[sflag:s5] =	ssyncset.done $0x0;
	s17 =	sshll.u32 s15, $0xE  }
0x22: {  	[sflag:s5] =	ssyncadd.s32 $0xFFFFC000;
	s31 =	sshrl.u32 s18, $0x2;
	s16 =	sshrl.u32 s16, $0x2  }
0x23: {  	s18 =	simm.s32 $0x0;
	s15 =	sor.u32 $0x8000, s31;
	s16 =	sadd.s32 $0x8810, s16  }
.LBB1_3:
0x24: {  	v0 =	vmov s17;
	_ =	sdelay $0x3  }
0x25: {  	s19 =	simm.s32 $0x0  }
0x26: {  	v1 =	vld.idx.msk [tilespmem:v0+s19+$0x10 ss:$0x1], $0xffff  }
0x27: {  	v2 =	vld.idx.msk [tilespmem:v0+s19+$0x0 ss:$0x1], $0xffff;
	_ =	sdelay $0x1  }
0x28: {  	s20 =	simm.s32 $0x80;
	s19 =	smov.u32 s16  }
.LBB1_4:
0x29: {  	s21 =	sshra.s32 s20, $0x2;
	p1 =	sne.s32 s20, $0x180;
	s20 =	sadd.s32 $0x80, s20  }
.Ltmp3:
0x2a: {  	[tilespmem:s19+$0x0 ss:$0x81] =	vst.msk $0xffff, v1;
	v1 =	vld.idx.msk [tilespmem:v0+s21+$0x10 ss:$0x1], $0xffff;
	(pc) =	sbr.rel @p1 .LBB1_4-.Ltmp3, $2  }
0x2b: {  	[tilespmem:s19+$0xFFFFF7F0 ss:$0x81] =	vst.msk $0xffff, v2;
	v2 =	vld.idx.msk [tilespmem:v0+s21+$0x0 ss:$0x1], $0xffff;
	_ =	sdelay $0x2  }
0x2c: {  	s19 =	sadd.s32 $0x1020, s19  }
0x2d: {  	s18 =	sadd.s32 $0x1, s18  }
0x2e: {  	p1 =	sne.s32 s18, $0x80  }
.Ltmp4:
0x2f: {  	_ = 	snop;
	(pc) =	sbr.rel @p1 .LBB1_3-.Ltmp4, $3  }
0x30: {  	_ =	sdelay $0x1  }
0x31: {  	[tilespmem:s19+$0x0 ss:$0x81] =	vst.msk $0xffff, v1  }
0x32: {  	s16 =	sadd.s32 $0x1, s16;
	s17 =	sadd.s32 $0x80, s17;
	[tilespmem:s19+$0xFFFFF7F0 ss:$0x81] =	vst.msk $0xffff, v2  }
0x33: {  	s16 =	sshll.u32 s13, $0x3;
	s17 =	sand.u32 $0x78, s13;
	s14 =	sshll.u32 s14, $0x12  }
.Ltmp5:
0x34: {  	s30 =	sand.u32 $0xF800, s13;
	s16 =	sand.u32 $0x3C00, s16;
	(pc) =	sbr.rel .LBB1_7-.Ltmp5, $4  }
0x35: {  	s31 =	sand.u32 $0x7, s13;
	s14 =	sadd.s32 s4, s14;
	s16 =	sor.u32 s17, s16  }
0x36: {  	s13 =	sshll.u32 s31, $0x12;
	s14 =	sadd.s32 s30, s14;
	s16 =	sshrl.u32 s16, $0x3  }
0x37: {  	s13 =	sor.u32 $0x400, s13;
	s14 =	sadd.s32 s16, s14  }
0x38: {  	[hbm4b:s14+s13] =	stream.strided.scatter [tilespmem:s15], [sflag:$0x2], $0x4000, s9, s13, $0x20;
	[tilespmem:$0x10100] =	vst v63  }
.LBB1_8:
0x39: {  	_ =	sfence.sel $0x180000  }
0x3a: {  	s2 =	simm.s32 $0x1;
	[bflag:$0x0] =	sbarrier.arrive $0xFFFF  }
0x3b: {  	s31 =	simm.s32 $0x2;
	[sflag:s2] =	ssyncpa.u1 $0x1  }
0x3c: {  	[sflag:s31] =	ssyncpa.u1 $0x1  }
0x3d: {  	p0 =	sne.s32 s0, $0x0;
	_ =	strace $0x90000050  }
0x3e: {  	s0 =	sadd.s32 @!p0 $0x100000, s1;
	[bflag:$0x2] =	sbarrier.arrive $0xFFFF  }
0x3f: {  	[sflag:s0] =	ssyncadd.tile.s32 @!p0 $0x1;
	_ =	shalt  }
.Lfunc_end1:
_tile_overlayer_lowered:
.L_overlay_start_2:
0x40: {  	(tag) =	ssettag $0x2  }
0x41: {  	s0 =	rddreg [dreg:$0x0];
	s2 =	stileid.u32  }
0x42: {  	s1 =	rddreg [dreg:$0x1];
	p0 =	sne.s32 s2, $0x0  }
0x43: {  	s3 =	rddreg [dreg:$0x2];
	[bflag:$0x3] =	sbarrier.arrive $0xFFFF;
	s2 =	simm.s32 @!p0 $0x1C01  }
0x44: {  	[timem:s3], [sflag:s2] =	dma.local @!p0 [hbm:s0], s1  }
0x45: {  	s0 =	simm.s32 @!p0 $0x1  }
0x46: {  	_ =	swait.ge @!p0 [sflag:s0], s1  }
0x47: {  	s1 =	ssub.s32 @!p0 $0x0, s1;
	[sflag:s0] =	ssyncset.done @!p0 $0x0  }
0x48: {  	[sflag:s0] =	ssyncadd.s32 @!p0 s1  }
0x49: {  	[bflag:$0x3] =	sbarrier.arrive $0xFFFF  }
0x4a: {  	_ =	shalt  }

// kernel: sparse-core-data-format-call.cloned.1.call-start
scs
called_computation_lowered:
.L_overlay_start_0:
0x0: {  	s2 =	sld [smem:$0x3FD9]  }
0x1: {  	s3 =	sld [smem:$0x3FFE];
	_ =	sdelay $0x1  }
0x2: {  	s1 =	srdreg.scid  }
0x3: {  	s0 =	sand.u32 $0x1, s1  }
0x4: {  	s18 =	sshll.u32 s0, $0xA;
	s2 =	sadd.s32 s3, s2  }
0x5: {  	s2 =	sadd.s32 s2, s18  }
0x6: {  	[smem:$0x3F89] =	sst s2  }
0x7: {  	_ = 	snop  }
0x8: {  	(tm) =	ssettm $0x1  }
0x9: {  	s19 =	sld [smem:$0x3FFB];
	_ =	sdelay $0x3  }
0xa: {  	_ =	strace s19  }
0xb: {  	s2 =	sld [smem:$0x3FFC];
	_ =	sdelay $0x3  }
0xc: {  	_ =	strace s2  }
0xd: {  	s2 =	sld [smem:$0x3FFD];
	_ =	sdelay $0x3  }
0xe: {  	_ =	strace s2  }
0xf: {  	_ =	strace $0x8FFFFFFF  }
0x10: {  	s20 =	sld [smem:$0x3FDB];
	_ =	sdelay $0x1  }
0x11: {  	s21 =	simm.s32 $_scs_section_size  }
0x12: {  	s4 =	simm.s32 $_size__tile_overlayer_lowered;
	s5 =	simm.s32 $_tile_overlayer_lowered  }
0x13: {  	s6 =	simm.s32 $0x1BFF;
	s22 =	sshll.u32 s5, $0x1;
	s3 =	sadd.s32 s21, s20  }
0x14: {  	s23 =	simm.s32 $0x0;
	s4 =	sshll.u32 s4, $0x1;
	s5 =	sadd.s32 s22, s3  }
0x15: {  	[timem:s23], [sflag:s6] =	dma.local [hbm:s5], s4  }
0x16: {  	_ =	swait.ge [sflag:s6], s4  }
0x17: {  	s4 =	ssub.s32 $0x0, s4;
	[sflag:s6] =	ssyncset.done $0x0  }
0x18: {  	[sflag:s6] =	ssyncadd.s32 s4;
	_ =	sdelay $0x1  }
0x19: {  	s24 =	simm.s32 $0x1B8B  }
0x1a: {  	_ =	swait.ge [sflag:s24], $0x1  }
0x1b: {  	[sflag:s24] =	ssyncset.done $0x0  }
0x1c: {  	[sflag:s24] =	ssyncadd.s32 $0xFFFFFFFF  }
0x1d: {  	s4 =	sld [smem:$0x0]  }
0x1e: {  	s5 =	sand.u32 $0xFFFFFFFE, s1  }
0x1f: {  	p0 =	sne.s32 s1, s5  }
0x20: {  	s5 =	sshll.u32 @p0 s5, $0xE  }
0x21: {  	s5 =	sadd.s32 @p0 $0x11B8D, s5;
	s6 =	sshll.u32 @p0 s4, $0x11  }
0x22: {  	s5 =	sor.u32 @p0 s6, s5  }
0x23: {  	[sflag:s5] =	ssyncadd.remote.s32 @p0 $0x1;
	_ =	sdelay $0x1  }
0x24: {  	s5 =	simm.s32 @p0 $0x1B8D  }
0x25: {  	_ =	swait.eq @p0 [sflag:s5], $0x1  }
0x26: {  	[sflag:s5] =	ssyncadd.s32 @p0 $0xFFFFFFFF  }
0x27: {  	s6 =	sshll.u32 @!p0 s1, $0xE  }
0x28: {  	s6 =	sor.u32 @!p0 $0x4000, s6;
	s5 =	simm.s32 @!p0 $0x1B8D  }
0x29: {  	s4 =	sshll.u32 @!p0 s4, $0x11;
	s6 =	sadd.s32 @!p0 $0x11B8D, s6;
	_ =	swait.eq @!p0 [sflag:s5], $0x1  }
0x2a: {  	s4 =	sor.u32 @!p0 s4, s6;
	[sflag:s5] =	ssyncadd.s32 @!p0 $0xFFFFFFFF  }
0x2b: {  	s26 =	simm.s32 $0x1B8E;
	s25 =	sld [smem:$0x3FFE];
	[sflag:s4] =	ssyncadd.remote.s32 @!p0 $0x1  }
0x2c: {  	s27 =	simm.s32 $execute0_lowered;
	[smem:$0x3FD2] =	sst s26  }
0x2d: {  	s5 =	sshll.u32 s27, $0x1;
	_ =	strace $0x80000052;
	[dreg:$0x1] =	wrdreg $0xFFFFFFFF  }
0x2e: {  	s28 =	simm.s32 $_size_execute0_lowered;
	s3 =	sadd.s32 s3, s5;
	[dreg:$0x0] =	wrdreg $0x0  }
0x2f: {  	s5 =	sshll.u32 s28, $0x1;
	[dreg:$0x2] =	wrdreg s3  }
0x30: {  	[dreg:$0x3] =	wrdreg s5  }
0x31: {  	[dreg:$0x4] =	wrdreg $0xC0  }
0x32: {  	_ =	task [dreg:s23], $0x5FFFF  }
0x33: {  	[dreg:$0x1] =	wrdreg $0xFFFFFFFF  }
0x34: {  	[dreg:$0x0] =	wrdreg $0x60  }
0x35: {  	[dreg:$0x2] =	wrdreg s25  }
0x36: {  	[dreg:$0x3] =	wrdreg $0x9  }
0x37: {  	_ =	task.clear_ibuf [dreg:s23], $0x4FFFF;
	_ =	strace $0x90000052  }
0x38: {  	s29 =	simm.s32 $0x9;
	_ =	strace $0x80000054  }
0x39: {  	_ =	swait.ge [sflag:s29], $0x1  }
0x3a: {  	[sflag:s29] =	ssyncadd.s32 $0xFFFFFFFF  }
0x3b: {  	_ =	strace $0x90000054  }
0x3c: {  	_ =	sfence  }
0x3d: {  	s30 =	sld [smem:$0x0];
	_ =	sdelay $0x2  }
0x3e: {  	s31 =	sshll.u32 s1, $0xD;
	s1 =	sshrl.u32 s1, $0x2  }
0x3f: {  	s4 =	sand.u32 $0x4000, s31;
	s1 =	sadd.s32 s1, s30  }
0x40: {  	s0 =	sor.u32 s4, s0;
	s1 =	sshll.u32 s1, $0x11  }
0x41: {  	s0 =	sor.u32 s1, s0  }
0x42: {  	s0 =	sadd.s32 $0x8F2B, s0  }
0x43: {  	[sflag:s0] =	ssyncadd.remote.s32 $0x1  }
0x44: {  	_ =	sfence.sel $0xFFFF  }
0x45: {  	[dreg:$0x0] =	wrdreg $0xFFFFFFFF;
	(pc) =	sbr.abs _section_cstart, $3  }
0x46: {  	[dreg:$0x1] =	wrdreg $0xFFFFFFFF  }
0x47: {  	_ =	task.clear_ibuf [dreg:s23], $0x2FFFF;
	_ =	strace $0x9FFFFFFF  }
0x48: {  	(tm) =	ssettm $0x7FFFFFFF  }
0x49: {  	_ =	shalt  }
tec
execute0_lowered:
.L_overlay_start_1:
0x0: {  	(tag) =	ssettag $0x1  }
0x1: {  	s0 =	stileid.u32;
	s1 =	srdreg.scid  }
0x2: {  	s4 =	rddreg [dreg:$0x0];
	s7 =	simm.s32 $0x1;
	s31 =	simm.s32 $0x2  }
0x3: {  	s16 =	simm.s32 $0x0;
	s2 =	sshll.u32 s0, $0x5;
	s1 =	sshll.u32 s1, $0x9  }
0x4: {  	s9 =	simm.s32 $0x4000;
	s14 =	simm.s32 $0x0;
	s1 =	sor.u32 s2, s1  }
0x5: {  	s15 =	simm.s32 $0x0;
	s10 =	simm.s32 $0x0;
	s2 =	sand.u32 $0x380, s1  }
0x6: {  	s13 =	simm.s32 $0x0;
	s3 =	sadd.s32 $0x848C00, s4;
	s5 =	ssub.s32 $0x800, s2  }
0x7: {  	s4 =	sadd.s32 $0xA48C00, s4;
	s1 =	rddreg [dreg:$0x1];
	s6 =	sand.u32 $0x380, s5  }
.Ltmp0:
0x8: {  	_ =	strace $0x80000053;
	p0 =	sne.s32 s6, $0x0;
	(pc) =	sbr.rel .LBB1_1-.Ltmp0, $4  }
0x9: {  	s11 =	smov.u32 s2;
	s8 =	sshrl.u32 s5, $0xA;
	s7 =	simm.s32 @!p0 $0x0  }
0xa: {  	s5 =	sand.u32 $0x3, s0;
	s6 =	simm.s32 $0x1;
	s7 =	sadd.s32 s7, s8  }
0xb: {  	s12 =	smov.u32 s5;
	[sflag:s6] =	ssyncpa.u1 $0x0;
	s7 =	sshll.u32 s7, $0x4  }
0xc: {  	p0 =	por $0x0, $0x0;
	[sflag:s31] =	ssyncpa.u1 $0x0;
	s8 =	sor.u32 $0x1, s7  }
.LBB1_4:
0xd: {  	v5 =	vld [tilespmem:s19+$0xFFFFFFD0]  }
0xe: {  	[tilespmem:s20+$0x2040 ss:$0x81] =	vst.msk $0xffff, v1;
	v58 =	vld [tilespmem:s19+$0xFFFFFFE0]  }
0xf: {  	[tilespmem:s20+$0x2850 ss:$0x81] =	vst.msk $0xffff, v2;
	v59 =	vld [tilespmem:s19+$0xFFFFFFF0]  }
0x10: {  	s21 =	sshra.s32 s21, $0x2;
	[tilespmem:s20+$0x3060 ss:$0x81] =	vst.msk $0xffff, v3;
	v60 =	vld [tilespmem:s19+$0x0]  }
0x11: {  	[tilespmem:s20+$0x0 ss:$0x81] =	vst.msk $0xffff, v0;
	v61 =	vld [tilespmem:s19+$0x10];
	s18 =	sadd.s32 s21, s18  }
0x12: {  	s26 =	sshll.u32 s16, $0xB;
	v62 =	vld [tilespmem:s19+$0x20];
	[tilespmem:s18+$0x3870 ss:$0x81] =	vst.msk $0xffff, v4  }
0x13: {  	s27 =	sand.u32 $0x78, s14;
	s22 =	sshll.u32 s14, $0x3;
	v63 =	vld [tilespmem:s19+$0xFFFFFFC0];
	s29 =	sshll.u32 s16, $0x7;
	[tilespmem:s18+$0x810 ss:$0x81] =	vst.msk $0xffff, v5  }
0x14: {  	s15 =	sshll.u32 s15, $0x13;
	s20 =	sand.u32 $0x3FC000, s26;
	s28 =	sand.u32 $0x3FFC00, s22;
	[tilespmem:s18+$0x1020 ss:$0x81] =	vst.msk $0xffff, v58  }
0x15: {  	s31 =	sand.u32 $0x7, s14;
	s22 =	sand.u32 $0x400, s22;
	s19 =	sadd.s32 s28, s20;
	[tilespmem:s18+$0x1830 ss:$0x81] =	vst.msk $0xffff, v59  }
0x16: {  	s16 =	sand.u32 $0x380, s29;
	s30 =	sor.u32 s27, s22;
	s19 =	sshrl.u32 s19, $0x3;
	[tilespmem:s18+$0x2040 ss:$0x81] =	vst.msk $0xffff, v60  }
0x17: {  	s15 =	sadd.s32 s4, s15;
	s16 =	sor.u32 s16, s30;
	s19 =	sand.u32 $0x7FF00, s19;
	[tilespmem:s18+$0x2850 ss:$0x81] =	vst.msk $0xffff, v61  }
0x18: {  	s14 =	sshll.u32 s31, $0x12;
	s16 =	sshrl.u32 s16, $0x3;
	[tilespmem:s18+$0x3060 ss:$0x81] =	vst.msk $0xffff, v62;
	s15 =	sadd.s32 s19, s15  }
0x19: {  	s14 =	sor.u32 $0x400, s14;
	[tilespmem:s18+$0x0 ss:$0x81] =	vst.msk $0xffff, v63;
	s15 =	sadd.s32 s16, s15  }
0x1a: {  	[hbm4b:s15+s14] =	stream.strided.scatter [tilespmem:s17], [sflag:$0x2], $0x4000, s9, s14, $0x20;
	[tilespmem:$0x10100] =	vst v63  }
.LBB1_5:
0x1b: {  	s17 =	sadd.s32 $0x80, s10  }
0x1c: {  	s14 =	sadd.s32 $0x400, s11;
	s18 =	smov.u32 s11;
	p2 =	sgt.s32 s17, $0x7FF  }
0x1d: {  	s18 =	smov.u32 @p2 s14  }
0x1e: {  	s20 =	smov.u32 s12;
	s14 =	sadd.s32 $0x4, s12;
	p3 =	sgt.s32 s18, $0x7FF  }
0x1f: {  	s20 =	smov.u32 @p3 s14  }
0x20: {  	s17 =	simm.s32 @p2 $0x0;
	p2 =	sgt.s32 s20, $0x3  }
0x21: {  	p1 =	slt.u32 s13, $0x2;
	s20 =	smov.u32 @p2 s5;
	p2 =	sne.s32 s13, s8  }
.Ltmp1:
0x22: {  	s19 =	simm.s32 @!p1 $0x2;
	(pc) =	sbr.rel @!p2 .LBB1_6-.Ltmp1, $4  }
0x23: {  	s16 =	smov.u32 s10;
	s15 =	smov.u32 s12;
	_ =	swait.ge @!p1 [sflag:s19], $0x4000  }
0x24: {  	p0 =	por !p0, !p0;
	[sflag:s19] =	ssyncset.done @!p1 $0x0;
	s10 =	smov.u32 s17  }
0x25: {  	s18 =	smov.u32 @p3 s2;
	s14 =	smov.u32 s11;
	[sflag:s19] =	ssyncadd.s32 @!p1 $0xFFFFC000  }
0x26: {  	s11 =	smov.u32 s18;
	s13 =	sadd.s32 $0x1, s13;
	s12 =	smov.u32 s20  }
.LBB1_1:
0x27: {  	p1 =	sge.u32 s13, s7;
	s31 =	sadd.s32 $0xFFFFFFFF, s13  }
0x28: {  	s17 =	sxor.u32 @!p1 $0xFFFFFFFF, s13;
	s18 =	sand.u32 @!p1 $0x78, s10;
	s19 =	sshll.u32 @!p1 s11, $0xB  }
0x29: {  	s20 =	sshll.u32 @!p1 s11, $0x7;
	s21 =	sshll.u32 @!p1 s10, $0x3;
	s17 =	sshll.u32 @!p1 s17, $0xE  }
0x2a: {  	s19 =	sand.u32 @!p1 $0x3FC000, s19;
	s20 =	sand.u32 @!p1 $0x380, s20;
	s17 =	sand.u32 @!p1 $0x4000, s17  }
0x2b: {  	s19 =	sadd.s32 @!p1 s19, s21;
	s21 =	sand.u32 @!p1 $0x400, s21;
	s18 =	sor.u32 @!p1 s20, s18  }
0x2c: {  	s20 =	sshll.u32 @!p1 s12, $0x13;
	s18 =	sor.u32 @!p1 s21, s18;
	s19 =	sshrl.u32 @!p1 s19, $0x3  }
0x2d: {  	s20 =	sadd.s32 @!p1 s3, s20;
	s21 =	sand.u32 @!p1 $0x7, s10;
	s19 =	sand.u32 @!p1 $0x7FF00, s19  }
0x2e: {  	s18 =	sshrl.u32 @!p1 s18, $0x3;
	s19 =	sadd.s32 @!p1 s19, s20;
	s20 =	sshll.u32 @!p1 s21, $0x12  }
0x2f: {  	s18 =	sadd.s32 @!p1 s18, s19;
	s19 =	sor.u32 @!p1 $0x400, s20;
	s20 =	simm.s32 @!p1 $0x4000  }
0x30: {  	[tilespmem:s17], [sflag:$0x1] =	stream.strided.gather @!p1 [hbm4b:s18+s19], $0x4000, s20, s19, $0x38;
	[tilespmem:$0x10100] =	vst v63  }
0x31: {  	p1 =	sge.u32 s31, s7  }
.Ltmp2:
0x32: {  	_ = 	snop;
	(pc) =	sbr.rel @p1 .LBB1_5-.Ltmp2, $1  }
0x33: {  	_ =	sdelay $0x3  }
0x34: {  	s17 =	simm.s32 $0x1  }
0x35: {  	_ =	swait.ge [sflag:s6], $0x4000;
	s17 =	simm.s32 @!p0 $0x0  }
0x36: {  	[sflag:s6] =	ssyncset.done $0x0;
	s18 =	sshll.u32 s17, $0xE  }
0x37: {  	[sflag:s6] =	ssyncadd.s32 $0xFFFFC000;
	s19 =	sor.u32 $0x40, s18  }
0x38: {  	s17 =	smul.u32 $0x10200, s17;
	v0 =	vld [tilespmem:s19+$0x30]  }
0x39: {  	v3 =	vld [tilespmem:s19+$0xFFFFFFD0]  }
0x3a: {  	s17 =	sshrl.u32 s17, $0x2;
	v4 =	vld [tilespmem:s19+$0xFFFFFFE0]  }
0x3b: {  	v5 =	vld [tilespmem:s19+$0xFFFFFFF0];
	s18 =	sor.u32 $0x8000, s17  }
0x3c: {  	s31 =	sand.u32 $0x1, s13;
	v1 =	vld [tilespmem:s19+$0x0];
	s20 =	sadd.s32 $0x0, s18  }
0x3d: {  	v2 =	vld [tilespmem:s19+$0x10];
	s17 =	smul.u32 $0x10200, s31;
	[tilespmem:s20+$0x3870 ss:$0x81] =	vst.msk $0xffff, v0  }
0x3e: {  	[tilespmem:s20+$0x810 ss:$0x81] =	vst.msk $0xffff, v3;
	v3 =	vld [tilespmem:s19+$0x20]  }
0x3f: {  	s17 =	sshrl.u32 s17, $0x2;
	v0 =	vld [tilespmem:s19+$0xFFFFFFC0];
	[tilespmem:s20+$0x1020 ss:$0x81] =	vst.msk $0xffff, v4;
	s19 =	sadd.s32 $0x80, s19  }
0x40: {  	s21 =	simm.s32 $0x4;
	s22 =	simm.s32 $0x8;
	s17 =	sor.u32 $0x8000, s17;
	[tilespmem:s20+$0x1830 ss:$0x81] =	vst.msk $0xffff, v5;
	v4 =	vld [tilespmem:s19+$0x30]  }
.LBB1_3:
0x41: {  	p1 =	sne.s32 s22, $0x1FC;
	v5 =	vld [tilespmem:s19+$0xFFFFFFD0];
	[tilespmem:s20+$0x2040 ss:$0x81] =	vst.msk $0xffff, v1  }
0x42: {  	v6 =	vld [tilespmem:s19+$0xFFFFFFE0];
	[tilespmem:s20+$0x2850 ss:$0x81] =	vst.msk $0xffff, v2  }
0x43: {  	s23 =	sshra.s32 s21, $0x2;
	s21 =	smov.u32 s22;
	v7 =	vld [tilespmem:s19+$0xFFFFFFF0];
	[tilespmem:s20+$0x3060 ss:$0x81] =	vst.msk $0xffff, v3  }
.Ltmp3:
0x44: {  	v1 =	vld [tilespmem:s19+$0x0];
	[tilespmem:s20+$0x0 ss:$0x81] =	vst.msk $0xffff, v0;
	s20 =	sadd.s32 s23, s18;
	(pc) =	sbr.rel @p1 .LBB1_3-.Ltmp3, $4  }
0x45: {  	v2 =	vld [tilespmem:s19+$0x10];
	[tilespmem:s20+$0x3870 ss:$0x81] =	vst.msk $0xffff, v4  }
0x46: {  	[tilespmem:s20+$0x810 ss:$0x81] =	vst.msk $0xffff, v5;
	v3 =	vld [tilespmem:s19+$0x20]  }
0x47: {  	v0 =	vld [tilespmem:s19+$0xFFFFFFC0];
	[tilespmem:s20+$0x1020 ss:$0x81] =	vst.msk $0xffff, v6;
	s19 =	sadd.s32 $0x80, s19  }
0x48: {  	s22 =	sadd.s32 $0x4, s22;
	v4 =	vld [tilespmem:s19+$0x30];
	[tilespmem:s20+$0x1830 ss:$0x81] =	vst.msk $0xffff, v7  }
.Ltmp4:
0x49: {  	_ = 	snop;
	(pc) =	sbr.rel .LBB1_4-.Ltmp4, $1  }
0x4a: {  	_ =	sdelay $0x3  }
.LBB1_6:
0x4b: {  	_ =	sfence.sel $0x180000  }
0x4c: {  	s2 =	simm.s32 $0x1;
	[bflag:$0x0] =	sbarrier.arrive $0xFFFF  }
0x4d: {  	s31 =	simm.s32 $0x2;
	[sflag:s2] =	ssyncpa.u1 $0x1  }
0x4e: {  	[sflag:s31] =	ssyncpa.u1 $0x1  }
0x4f: {  	p0 =	sne.s32 s0, $0x0;
	_ =	strace $0x90000053  }
0x50: {  	s0 =	sadd.s32 @!p0 $0x100000, s1;
	[bflag:$0x2] =	sbarrier.arrive $0xFFFF  }
0x51: {  	[sflag:s0] =	ssyncadd.tile.s32 @!p0 $0x1;
	_ =	shalt  }
.Lfunc_end1:
_tile_overlayer_lowered:
.L_overlay_start_2:
0x52: {  	(tag) =	ssettag $0x2  }
0x53: {  	s0 =	rddreg [dreg:$0x0];
	s2 =	stileid.u32  }
0x54: {  	s1 =	rddreg [dreg:$0x1];
	p0 =	sne.s32 s2, $0x0  }
0x55: {  	s3 =	rddreg [dreg:$0x2];
	[bflag:$0x3] =	sbarrier.arrive $0xFFFF;
	s2 =	simm.s32 @!p0 $0x1C01  }
0x56: {  	[timem:s3], [sflag:s2] =	dma.local @!p0 [hbm:s0], s1  }
0x57: {  	s0 =	simm.s32 @!p0 $0x1  }
0x58: {  	_ =	swait.ge @!p0 [sflag:s0], s1  }
0x59: {  	s1 =	ssub.s32 @!p0 $0x0, s1;
	[sflag:s0] =	ssyncset.done @!p0 $0x0  }
0x5a: {  	[sflag:s0] =	ssyncadd.s32 @!p0 s1  }
0x5b: {  	[bflag:$0x3] =	sbarrier.arrive $0xFFFF  }
0x5c: {  	_ =	shalt  }

</sc_bundles>
